<compile_context>
chip_gen: v7x
topology: tpu7x:2x2x1
jax: 0.10.2.dev20260603
libtpu: 0.0.44.dev20260713+nightly
codegen_flags: <defaults>
</compile_context>

<pallas_src>
import functools

import jax
import jax.numpy as jnp
from jax import lax
from jax.experimental import pallas as pl
from jax.experimental.pallas import tpu as pltpu
from jax.experimental.pallas import tpu_sc as plsc

_B = 16384
_E = 16384
_MEM = 32
_RAW = 16
_TD = 32
_L = 16
_NC = 2
_NS = 16
_G = 8
_RSUB = 2
_SEG_PER_CORE = _B // _NC
_SUB = _SEG_PER_CORE // _RSUB
_EV_PER_G = _E // _G
_NVEC = _EV_PER_G // _L
_FIN = _B // (_NC * _NS)
_SENT = 2**31 - 1
_POS_BITS = 14
_POS_MASK = (1 << _POS_BITS) - 1


def _perm(v, idx):
  return lax.gather(
      v,
      idx[:, None],
      lax.GatherDimensionNumbers(
          offset_dims=(), collapsed_slice_dims=(0,), start_index_map=(0,)),
      slice_sizes=(1,),
      mode=lax.GatherScatterMode.PROMISE_IN_BOUNDS,
  )


def _sc_body(ints_hbm, raw_hbm, mem_hbm,
             mdst_out, raw_out, tf_out, vf_out, lu_out,
             src_v, t_v, loc, shared, seg, tmp,
             pos_v, dsel_v, mem_rows, raw_rows, tf_v, vf_v, lu_v,
             dst_v, raw_sh, h_sh,
             sem0, sem1, sem2):
  c = lax.axis_index("c")
  s = lax.axis_index("s")
  g = s // _RSUB
  r = s % _RSUB
  lo = c * _SEG_PER_CORE + r * _SUB
  ebase = g * _EV_PER_G

  stripe = _E // _NS
  sbase = s * stripe
  erow = ebase // 128
  nrow = _EV_PER_G // 128
  ld0 = pltpu.async_copy(ints_hbm.at[pl.ds(erow, nrow)], src_v, sem0)
  ld1 = pltpu.async_copy(ints_hbm.at[pl.ds(128 + erow, nrow)], t_v, sem1)
  st0 = pltpu.async_copy(ints_hbm.at[pl.ds(256, 128)], dst_v, sem2)
  st1 = pltpu.async_copy(
      raw_hbm.at[pl.ds(sbase, stripe)], raw_sh.at[pl.ds(sbase, stripe)],
      sem2)
  st2 = pltpu.async_copy(
      mem_hbm.at[pl.ds(sbase, stripe)], h_sh.at[pl.ds(sbase, stripe)],
      sem2)

  neg1 = jnp.full((_L,), -1, jnp.int32)

  def init_body(i, carry):
    loc[pl.ds(i * _L, _L)] = neg1
    return carry

  lax.fori_loop(0, _SUB // _L, init_body, 0)
  ld0.wait()
  ld1.wait()

  lane = lax.iota(jnp.int32, _L)

  def ev_body(i, carry):
    row = i // 8
    off = (i % 8) * _L
    sv = src_v[row, pl.ds(off, _L)]
    tv = t_v[row, pl.ds(off, _L)]
    posv = (ebase + i * _L) + lane
    key = tv * (1 << _POS_BITS) + posv
    inr = (sv >= lo) & (sv < lo + _SUB)
    ls = jnp.where(inr, sv - lo, _SENT)
    kk = jnp.where(inr, key, -1)
    sg, val = plsc.sort_key_val(ls, kk)
    for d in (1, 2, 4, 8):
      idx = jnp.maximum(lane - d, 0)
      sgd = _perm(sg, idx)
      vd = _perm(val, idx)
      ok = (lane >= d) & (sgd == sg)
      val = jnp.where(ok, jnp.maximum(val, vd), val)
    nxt = _perm(sg, jnp.minimum(lane + 1, _L - 1))
    isend = (lane == _L - 1) | (nxt != sg)
    wm = isend & (sg != _SENT)
    idxc = jnp.where(wm, sg, 0)
    cur = plsc.load_gather(loc, [idxc], mask=wm)
    plsc.store_scatter(loc, [idxc], jnp.maximum(cur, val), mask=wm)
    return carry

  lax.fori_loop(0, _NVEC, ev_body, 0)

  st0.wait()
  st1.wait()
  st2.wait()
  pltpu.sync_copy(loc, shared.at[s])
  plsc.subcore_barrier()

  rstar = s // (_NS // _RSUB)
  off = (s % (_NS // _RSUB)) * _FIN

  def red_body(g2, carry):
    pltpu.sync_copy(shared.at[g2 * _RSUB + rstar, pl.ds(off, _FIN)], tmp)

    def mx(j, carry2):
      sl = pl.ds(j * _L, _L)
      seg[sl] = jnp.maximum(seg[sl], tmp[sl])
      return carry2

    lax.fori_loop(0, _FIN // _L, mx, 0)
    return carry

  pltpu.sync_copy(shared.at[rstar, pl.ds(off, _FIN)], seg)
  lax.fori_loop(1, _G, red_body, 0)

  def dec_body(j, carry):
    sl = pl.ds(j * _L, _L)
    k16 = seg[sl]
    valid = k16 >= 0
    lu16 = jnp.where(valid, lax.shift_right_arithmetic(k16, _POS_BITS), 0)
    p16 = jnp.where(valid, lax.bitwise_and(k16, _POS_MASK), 0)
    pos_v[sl] = p16
    lu_v[sl] = lu16
    tf_v[sl] = lu16.astype(jnp.float32)
    vf_v[sl] = jnp.where(valid, 1.0, 0.0).astype(jnp.float32)
    return carry

  lax.fori_loop(0, _FIN // _L, dec_body, 0)

  def dsel_body(j, carry):
    sl = pl.ds(j * _L, _L)
    p16 = pos_v[sl]
    dsel_v[sl] = plsc.load_gather(
        dst_v, [lax.shift_right_logical(p16, 7),
                lax.bitwise_and(p16, 127)])
    return carry

  lax.fori_loop(0, _FIN // _L, dsel_body, 0)

  raw_cp = pltpu.async_copy(raw_sh.at[pos_v], raw_rows, sem1)
  pltpu.async_copy(h_sh.at[dsel_v], mem_rows, sem0).wait()
  raw_cp.wait()

  base = c * _SEG_PER_CORE + s * _FIN
  pltpu.sync_copy(mem_rows, mdst_out.at[pl.ds(base, _FIN)])
  pltpu.sync_copy(raw_rows, raw_out.at[pl.ds(base, _FIN)])
  pltpu.sync_copy(tf_v, tf_out.at[pl.ds(base, _FIN)])
  pltpu.sync_copy(vf_v, vf_out.at[pl.ds(base, _FIN)])
  pltpu.sync_copy(lu_v, lu_out.at[pl.ds(base, _FIN)])


@functools.cache
def _make_sc_call():
  return pl.kernel(
    _sc_body,
    out_type=[
        jax.ShapeDtypeStruct((_B, _MEM), jnp.float32),
        jax.ShapeDtypeStruct((_B, _RAW), jnp.float32),
        jax.ShapeDtypeStruct((_B,), jnp.float32),
        jax.ShapeDtypeStruct((_B,), jnp.float32),
        jax.ShapeDtypeStruct((_B,), jnp.int32),
    ],
    mesh=plsc.VectorSubcoreMesh(core_axis_name="c", subcore_axis_name="s"),
    compiler_params=pltpu.CompilerParams(
        needs_layout_passes=False, use_tc_tiling_on_sc=False),
    scratch_types=[
        pltpu.VMEM((_EV_PER_G // 128, 128), jnp.int32),
        pltpu.VMEM((_EV_PER_G // 128, 128), jnp.int32),
        pltpu.VMEM((_SUB,), jnp.int32),
        pltpu.VMEM_SHARED((_NS, _SUB), jnp.int32),
        pltpu.VMEM((_FIN,), jnp.int32),
        pltpu.VMEM((_FIN,), jnp.int32),
        pltpu.VMEM((_FIN,), jnp.int32),
        pltpu.VMEM((_FIN,), jnp.int32),
        pltpu.VMEM((_FIN, _MEM), jnp.float32),
        pltpu.VMEM((_FIN, _RAW), jnp.float32),
        pltpu.VMEM((_FIN,), jnp.float32),
        pltpu.VMEM((_FIN,), jnp.float32),
        pltpu.VMEM((_FIN,), jnp.int32),
        pltpu.VMEM((_E // 128, 128), jnp.int32),
        pltpu.VMEM_SHARED((_E, _RAW), jnp.float32),
        pltpu.VMEM_SHARED((_B, _MEM), jnp.float32),
        pltpu.SemaphoreType.DMA,
        pltpu.SemaphoreType.DMA,
        pltpu.SemaphoreType.DMA,
    ],
  )


_P = 4
_PK = _P * _MEM
_B4 = _B // _P
_R4 = 1024


def _tc_body(h_ref, m_ref, raw_ref, t4_ref, vq_ref,
             bh_ref, bm_ref, br_ref, bt_ref, bhh_ref,
             selg_ref, wrep_ref, brep_ref, bi_ref, bhb_ref,
             out_ref):
  f32 = jnp.float32
  h4 = h_ref[...]
  m4 = m_ref[...]
  raw4 = raw_ref[...]
  v3 = jnp.dot(vq_ref[...], selg_ref[...], preferred_element_type=f32)
  te = jnp.cos(t4_ref[...] * wrep_ref[...] + brep_ref[...])
  gx = (jnp.dot(h4, bh_ref[...], preferred_element_type=f32)
        + jnp.dot(m4, bm_ref[...], preferred_element_type=f32)
        + jnp.dot(raw4, br_ref[...], preferred_element_type=f32)
        + jnp.dot(te, bt_ref[...], preferred_element_type=f32))
  gi = v3 * gx + bi_ref[...]
  gh = jnp.dot(h4, bhh_ref[...], preferred_element_type=f32) + bhb_ref[...]
  i_r, i_z, i_n = gi[:, :_PK], gi[:, _PK:2 * _PK], gi[:, 2 * _PK:]
  h_r, h_z, h_n = gh[:, :_PK], gh[:, _PK:2 * _PK], gh[:, 2 * _PK:]
  rr = jax.nn.sigmoid(i_r + h_r)
  zz = jax.nn.sigmoid(i_z + h_z)
  nn = jnp.tanh(i_n + rr * h_n)
  out_ref[...] = (1.0 - zz) * nn + zz * h4


def _tc_call(h4, m4, raw4, t4, vq, weights):
  grid = (_B4 // _R4,)
  row = lambda i: (i, 0)
  full = lambda i: (0, 0)
  w_specs = [pl.BlockSpec(w.shape, full) for w in weights]
  return pl.pallas_call(
      _tc_body,
      grid=grid,
      in_specs=[
          pl.BlockSpec((_R4, _PK), row),
          pl.BlockSpec((_R4, _PK), row),
          pl.BlockSpec((_R4, _P * _RAW), row),
          pl.BlockSpec((_R4, _PK), row),
          pl.BlockSpec((_R4, _P), row),
          *w_specs,
      ],
      out_specs=pl.BlockSpec((_R4, _PK), row),
      out_shape=jax.ShapeDtypeStruct((_B4, _PK), jnp.float32),
  )(h4, m4, raw4, t4, vq, *weights)


def kernel(memory, last_update, n_id, src, dst, t, raw_msg, time_W, time_b,
           W_ih, W_hh, b_ih, b_hh):
  del last_update, n_id
  f32 = jnp.float32
  h = lax.slice(memory, (0, 0), (_B, _MEM))
  ints = jnp.concatenate([src, t, dst]).reshape(3 * _E // 128, 128)
  mdst, rawsel, tf, vf, lu = _make_sc_call()(ints, raw_msg, h)

  h4 = h.reshape(_B4, _PK)
  m4 = mdst.reshape(_B4, _PK)
  raw4 = rawsel.reshape(_B4, _P * _RAW)
  t4 = jnp.broadcast_to(
      tf.reshape(_B4, _P, 1), (_B4, _P, _MEM)).reshape(_B4, _PK)
  vq = vf.reshape(_B4, _P)

  wt = W_ih.T
  a1, a2 = wt[:_MEM], wt[_MEM:2 * _MEM]
  a3 = wt[2 * _MEM:2 * _MEM + _RAW]
  a4 = wt[2 * _MEM + _RAW:]
  eye4 = jnp.eye(_P, dtype=f32)

  def expand(a):
    return jnp.concatenate(
        [jnp.kron(eye4, a[:, g * _MEM:(g + 1) * _MEM]) for g in range(3)],
        axis=1)

  selg = jnp.tile(
      jnp.kron(eye4, jnp.ones((1, _MEM), f32)), (1, 3))
  wrep = jnp.tile(time_W.reshape(1, _TD), (1, _P))
  brep = jnp.tile(time_b.reshape(1, _TD), (1, _P))
  bi = jnp.concatenate(
      [jnp.tile(b_ih[g * _MEM:(g + 1) * _MEM], _P) for g in range(3)]
  ).reshape(1, 3 * _PK)
  bhb = jnp.concatenate(
      [jnp.tile(b_hh[g * _MEM:(g + 1) * _MEM], _P) for g in range(3)]
  ).reshape(1, 3 * _PK)
  weights = [expand(a1), expand(a2), expand(a3), expand(a4), expand(W_hh.T),
             selg, wrep, brep, bi, bhb]

  out4 = _tc_call(h4, m4, raw4, t4, vq, weights)
  return out4.reshape(_B, _MEM), lu

# --- scband reference (transcript-rebuilt; emitter-appended) ---
"""Pipeline reference for scband-tgnmemory-11416023072996 (READ-ONLY COPY).

The authoritative reference and input builder live on the scoring server;
editing this copy changes nothing except your own understanding.
"""

import jax, jax.numpy as jnp
import numpy as np

NUM_NODES = 1000000
MEM_DIM = 32
RAW_DIM = 16
TIME_DIM = 32
B = 16384
E = 16384
MSG_DIM = RAW_DIM + 2 * MEM_DIM + TIME_DIM


def setup_inputs(seed: int = 0) -> dict:
    key = jax.random.key(seed)
    ks = jax.random.split(key, 12)
    inp = {}
    inp["memory"] = jax.random.normal(ks[0], (NUM_NODES, MEM_DIM), dtype=jnp.float32)
    inp["last_update"] = jnp.zeros((NUM_NODES,), dtype=jnp.int32)
    inp["n_id"] = jnp.arange(B, dtype=jnp.int32)
    inp["src"] = jax.random.randint(ks[1], (E,), 0, B, dtype=jnp.int32)
    inp["dst"] = jax.random.randint(ks[2], (E,), 0, B, dtype=jnp.int32)
    inp["t"] = jax.random.randint(ks[3], (E,), 0, 100000, dtype=jnp.int32)
    inp["raw_msg"] = jax.random.normal(ks[4], (E, RAW_DIM), dtype=jnp.float32)
    inp["time_W"] = jax.random.uniform(ks[5], (TIME_DIM, 1), minval=-1.0, maxval=1.0, dtype=jnp.float32)
    inp["time_b"] = jax.random.uniform(ks[6], (TIME_DIM,), minval=-1.0, maxval=1.0, dtype=jnp.float32)
    k = 1.0 / np.sqrt(MEM_DIM)
    inp["W_ih"] = jax.random.uniform(ks[7], (3 * MEM_DIM, MSG_DIM), minval=-k, maxval=k, dtype=jnp.float32)
    inp["W_hh"] = jax.random.uniform(ks[8], (3 * MEM_DIM, MEM_DIM), minval=-k, maxval=k, dtype=jnp.float32)
    inp["b_ih"] = jax.random.uniform(ks[9], (3 * MEM_DIM,), minval=-k, maxval=k, dtype=jnp.float32)
    inp["b_hh"] = jax.random.uniform(ks[10], (3 * MEM_DIM,), minval=-k, maxval=k, dtype=jnp.float32)
    return inp


def _gru_cell(x, h, W_ih, W_hh, b_ih, b_hh):
    gi = x @ W_ih.T + b_ih
    gh = h @ W_hh.T + b_hh
    i_r, i_z, i_n = jnp.split(gi, 3, axis=1)
    h_r, h_z, h_n = jnp.split(gh, 3, axis=1)
    r = jax.nn.sigmoid(i_r + h_r)
    z = jax.nn.sigmoid(i_z + h_z)
    n = jnp.tanh(i_n + r * h_n)
    return (1.0 - z) * n + z * h


def reference(memory, last_update, n_id, src, dst, t, raw_msg, time_W, time_b, W_ih, W_hh, b_ih, b_hh):
    # _get_updated_memory path (training-mode forward), with IdentityMessage + LastAggregator.
    # n_id == arange(B), so _assoc[src] == src.
    t_rel = (t - last_update[src]).astype(jnp.float32)
    t_enc = jnp.cos(t_rel[:, None] @ time_W.T + time_b)  # TimeEncoder: Linear(1, time_dim).cos()
    # IdentityMessage: concat(memory[src], memory[dst], raw_msg, t_enc)
    msg = jnp.concatenate([memory[src], memory[dst], raw_msg, t_enc], axis=1)
    # LastAggregator: per-destination-slot message with max timestamp (scatter argmax by t)
    assoc = src
    pos = jnp.arange(E, dtype=jnp.int32)
    seg_t = jax.ops.segment_max(t, assoc, num_segments=B)
    is_max = t == seg_t[assoc]
    cand = jnp.where(is_max, pos, -1)
    argmax = jax.ops.segment_max(cand, assoc, num_segments=B)
    valid = argmax >= 0
    aggr = jnp.where(valid[:, None], msg[jnp.clip(argmax, 0)], 0.0)
    # GRUCell memory update
    h = memory[n_id]
    new_mem = _gru_cell(aggr, h, W_ih, W_hh, b_ih, b_hh)
    # last_update = scatter_max(t, src, dim_size=num_nodes)[n_id] (PyG scatter max over zeros base)
    lu = jax.ops.segment_max(t, src, num_segments=NUM_NODES)
    lu = jnp.maximum(lu, 0)[n_id]
    return new_mem, lu

if __name__ == "__main__":
    import jax
    _d = setup_inputs()
    print(jax.jit(kernel)(*tuple(_d.values())))

</pallas_src>

<mosaic_0001>
#map = affine_map<(d0, d1) -> (0, 0)>
#map1 = affine_map<(d0, d1) -> (0)>
module attributes {stable_mosaic.version = 14 : i64} {
  func.func @_sc_body(%arg0: i32, %arg1: i32, %arg2: memref<384x128xi32, #tpu.memory_space<hbm>>, %arg3: memref<16384x16xf32, #tpu.memory_space<hbm>>, %arg4: memref<16384x32xf32, #tpu.memory_space<hbm>>, %arg5: memref<16384x32xf32, #tpu.memory_space<hbm>>, %arg6: memref<16384x16xf32, #tpu.memory_space<hbm>>, %arg7: memref<16384xf32, #tpu.memory_space<hbm>>, %arg8: memref<16384xf32, #tpu.memory_space<hbm>>, %arg9: memref<16384xi32, #tpu.memory_space<hbm>>, %arg10: memref<16x128xi32, #tpu.memory_space<vmem>>, %arg11: memref<16x128xi32, #tpu.memory_space<vmem>>, %arg12: memref<4096xi32, #tpu.memory_space<vmem>>, %arg13: memref<16x4096xi32, #tpu.memory_space<vmem_shared>>, %arg14: memref<512xi32, #tpu.memory_space<vmem>>, %arg15: memref<512xi32, #tpu.memory_space<vmem>>, %arg16: memref<512xi32, #tpu.memory_space<vmem>>, %arg17: memref<512xi32, #tpu.memory_space<vmem>>, %arg18: memref<512x32xf32, #tpu.memory_space<vmem>>, %arg19: memref<512x16xf32, #tpu.memory_space<vmem>>, %arg20: memref<512xf32, #tpu.memory_space<vmem>>, %arg21: memref<512xf32, #tpu.memory_space<vmem>>, %arg22: memref<512xi32, #tpu.memory_space<vmem>>, %arg23: memref<128x128xi32, #tpu.memory_space<vmem>>, %arg24: memref<16384x16xf32, #tpu.memory_space<vmem_shared>>, %arg25: memref<16384x32xf32, #tpu.memory_space<vmem_shared>>, %arg26: memref<!tpu.dma_semaphore, #tpu.memory_space<semaphore_mem>>, %arg27: memref<!tpu.dma_semaphore, #tpu.memory_space<semaphore_mem>>, %arg28: memref<!tpu.dma_semaphore, #tpu.memory_space<semaphore_mem>>) attributes {dimension_semantics = [#tpu.dimension_semantics<core_parallel>, #tpu.dimension_semantics<subcore_parallel>], iteration_bounds = array<i64: 2, 16>, scalar_prefetch = 0 : i64, scratch_operands = 19 : i64, tpu.core_type = #tpu.core_type<sc_vector_subcore>, window_params = [{transform_indices = #map}, {transform_indices = #map}, {transform_indices = #map}, {transform_indices = #map}, {transform_indices = #map}, {transform_indices = #map1}, {transform_indices = #map1}, {transform_indices = #map1}]} {
    %jit3A = arith.constant 2 : i32
    %div3A = arith.divsi %arg1, %jit3A : i32
    %sign3A = arith.constant 0 : i32
    %sign3A_0 = arith.cmpi sgt, %arg1, %sign3A : i32
    %sign3A_1 = arith.extui %sign3A_0 : i1 to i32
    %sign3A_2 = arith.constant 0 : i32
    %sign3A_3 = arith.cmpi slt, %arg1, %sign3A_2 : i32
    %sign3A_4 = arith.extui %sign3A_3 : i1 to i32
    %sign3A_5 = arith.subi %sign3A_1, %sign3A_4 : i32
    %sign3A_6 = arith.constant 0 : i32
    %sign3A_7 = arith.cmpi sgt, %jit3A, %sign3A_6 : i32
    %sign3A_8 = arith.extui %sign3A_7 : i1 to i32
    %sign3A_9 = arith.constant 0 : i32
    %sign3A_10 = arith.cmpi slt, %jit3A, %sign3A_9 : i32
    %sign3A_11 = arith.extui %sign3A_10 : i1 to i32
    %sign3A_12 = arith.subi %sign3A_8, %sign3A_11 : i32
    %ne3A = arith.cmpi ne, %sign3A_5, %sign3A_12 : i32
    %rem3A = arith.remsi %arg1, %jit3A : i32
    %ne3A_13 = arith.constant 0 : i32
    %ne3A_14 = arith.cmpi ne, %rem3A, %ne3A_13 : i32
    %and3A = arith.andi %ne3A, %ne3A_14 : i1
    %sub3A = arith.constant 1 : i32
    %sub3A_15 = arith.subi %div3A, %sub3A : i32
    %select_n3A = arith.select %and3A, %sub3A_15, %div3A : i32
    %jit3A_16 = arith.constant 2 : i32
    %eq3A = arith.constant 0 : i32
    %eq3A_17 = arith.cmpi eq, %jit3A_16, %eq3A : i32
    %jit3A_18 = arith.constant 1 : i32
    %select_n3A_19 = arith.select %eq3A_17, %jit3A_18, %jit3A_16 : i32
    %rem3A_20 = arith.remsi %arg1, %select_n3A_19 : i32
    %ne3A_21 = arith.constant 0 : i32
    %ne3A_22 = arith.cmpi ne, %rem3A_20, %ne3A_21 : i32
    %lt3A = arith.constant 0 : i32
    %lt3A_23 = arith.cmpi slt, %rem3A_20, %lt3A : i32
    %lt3A_24 = arith.constant 0 : i32
    %lt3A_25 = arith.cmpi slt, %select_n3A_19, %lt3A_24 : i32
    %ne3A_26 = arith.xori %lt3A_23, %lt3A_25 : i1
    %and3A_27 = arith.andi %ne3A_26, %ne3A_22 : i1
    %add3A = arith.addi %rem3A_20, %select_n3A_19 : i32
    %select_n3A_28 = arith.select %and3A_27, %add3A, %rem3A_20 : i32
    %mul3A = arith.constant 8192 : i32
    %mul3A_29 = arith.muli %arg0, %mul3A : i32
    %mul3A_30 = arith.constant 4096 : i32
    %mul3A_31 = arith.muli %select_n3A_28, %mul3A_30 : i32
    %add3A_32 = arith.addi %mul3A_29, %mul3A_31 : i32
    %mul3A_33 = arith.constant 2048 : i32
    %mul3A_34 = arith.muli %select_n3A, %mul3A_33 : i32
    %mul3A_35 = arith.constant 1024 : i32
    %mul3A_36 = arith.muli %arg1, %mul3A_35 : i32
    %jit3A_37 = arith.constant 128 : i32
    %div3A_38 = arith.divsi %mul3A_34, %jit3A_37 : i32
    %sign3A_39 = arith.constant 0 : i32
    %sign3A_40 = arith.cmpi sgt, %mul3A_34, %sign3A_39 : i32
    %sign3A_41 = arith.extui %sign3A_40 : i1 to i32
    %sign3A_42 = arith.constant 0 : i32
    %sign3A_43 = arith.cmpi slt, %mul3A_34, %sign3A_42 : i32
    %sign3A_44 = arith.extui %sign3A_43 : i1 to i32
    %sign3A_45 = arith.subi %sign3A_41, %sign3A_44 : i32
    %sign3A_46 = arith.constant 0 : i32
    %sign3A_47 = arith.cmpi sgt, %jit3A_37, %sign3A_46 : i32
    %sign3A_48 = arith.extui %sign3A_47 : i1 to i32
    %sign3A_49 = arith.constant 0 : i32
    %sign3A_50 = arith.cmpi slt, %jit3A_37, %sign3A_49 : i32
    %sign3A_51 = arith.extui %sign3A_50 : i1 to i32
    %sign3A_52 = arith.subi %sign3A_48, %sign3A_51 : i32
    %ne3A_53 = arith.cmpi ne, %sign3A_45, %sign3A_52 : i32
    %rem3A_54 = arith.remsi %mul3A_34, %jit3A_37 : i32
    %ne3A_55 = arith.constant 0 : i32
    %ne3A_56 = arith.cmpi ne, %rem3A_54, %ne3A_55 : i32
    %and3A_57 = arith.andi %ne3A_53, %ne3A_56 : i1
    %sub3A_58 = arith.constant 1 : i32
    %sub3A_59 = arith.subi %div3A_38, %sub3A_58 : i32
    %select_n3A_60 = arith.select %and3A_57, %sub3A_59, %div3A_38 : i32
    %dma_start3A = arith.constant 0 : i32
    %dma_start3A_61 = tpu.memref_slice %arg2[%select_n3A_60, %dma_start3A] : memref<384x128xi32, #tpu.memory_space<hbm>> -> memref<16x128xi32, #tpu.memory_space<hbm>>
    %dma_start3A_62 = arith.constant 0 : i32
    %dma_start3A_63 = tpu.memref_slice %arg2[%select_n3A_60, %dma_start3A_62] : memref<384x128xi32, #tpu.memory_space<hbm>> -> memref<16x128xi32, #tpu.memory_space<hbm>>
    tpu.enqueue_dma source(%dma_start3A_63 : memref<16x128xi32, #tpu.memory_space<hbm>>) target(%arg10 : memref<16x128xi32, #tpu.memory_space<vmem>>) target_semaphore(%arg26 : memref<!tpu.dma_semaphore, #tpu.memory_space<semaphore_mem>>)
    %add3A_64 = arith.constant 128 : i32
    %add3A_65 = arith.addi %add3A_64, %select_n3A_60 : i32
    %dma_start3A_66 = arith.constant 0 : i32
    %dma_start3A_67 = tpu.memref_slice %arg2[%add3A_65, %dma_start3A_66] : memref<384x128xi32, #tpu.memory_space<hbm>> -> memref<16x128xi32, #tpu.memory_space<hbm>>
    %dma_start3A_68 = arith.constant 0 : i32
    %dma_start3A_69 = tpu.memref_slice %arg2[%add3A_65, %dma_start3A_68] : memref<384x128xi32, #tpu.memory_space<hbm>> -> memref<16x128xi32, #tpu.memory_space<hbm>>
    tpu.enqueue_dma source(%dma_start3A_69 : memref<16x128xi32, #tpu.memory_space<hbm>>) target(%arg11 : memref<16x128xi32, #tpu.memory_space<vmem>>) target_semaphore(%arg27 : memref<!tpu.dma_semaphore, #tpu.memory_space<semaphore_mem>>)
    %dma_start3A_70 = arith.constant 256 : i32
    %dma_start3A_71 = arith.constant 0 : i32
    %dma_start3A_72 = tpu.memref_slice %arg2[%dma_start3A_70, %dma_start3A_71] : memref<384x128xi32, #tpu.memory_space<hbm>> -> memref<128x128xi32, #tpu.memory_space<hbm>>
    %dma_start3A_73 = arith.constant 256 : i32
    %dma_start3A_74 = arith.constant 0 : i32
    %dma_start3A_75 = tpu.memref_slice %arg2[%dma_start3A_73, %dma_start3A_74] : memref<384x128xi32, #tpu.memory_space<hbm>> -> memref<128x128xi32, #tpu.memory_space<hbm>>
    tpu.enqueue_dma source(%dma_start3A_75 : memref<128x128xi32, #tpu.memory_space<hbm>>) target(%arg23 : memref<128x128xi32, #tpu.memory_space<vmem>>) target_semaphore(%arg28 : memref<!tpu.dma_semaphore, #tpu.memory_space<semaphore_mem>>)
    %dma_start3A_76 = arith.constant 0 : i32
    %dma_start3A_77 = tpu.memref_slice %arg24[%mul3A_36, %dma_start3A_76] : memref<16384x16xf32, #tpu.memory_space<vmem_shared>> -> memref<1024x16xf32, #tpu.memory_space<vmem_shared>>
    %dma_start3A_78 = arith.constant 0 : i32
    %dma_start3A_79 = tpu.memref_slice %arg3[%mul3A_36, %dma_start3A_78] : memref<16384x16xf32, #tpu.memory_space<hbm>> -> memref<1024x16xf32, #tpu.memory_space<hbm>>
    tpu.enqueue_dma source(%dma_start3A_79 : memref<1024x16xf32, #tpu.memory_space<hbm>>) target(%dma_start3A_77 : memref<1024x16xf32, #tpu.memory_space<vmem_shared>>) target_semaphore(%arg28 : memref<!tpu.dma_semaphore, #tpu.memory_space<semaphore_mem>>)
    %dma_start3A_80 = arith.constant 0 : i32
    %dma_start3A_81 = tpu.memref_slice %arg25[%mul3A_36, %dma_start3A_80] : memref<16384x32xf32, #tpu.memory_space<vmem_shared>> -> memref<1024x32xf32, #tpu.memory_space<vmem_shared>>
    %dma_start3A_82 = arith.constant 0 : i32
    %dma_start3A_83 = tpu.memref_slice %arg4[%mul3A_36, %dma_start3A_82] : memref<16384x32xf32, #tpu.memory_space<hbm>> -> memref<1024x32xf32, #tpu.memory_space<hbm>>
    tpu.enqueue_dma source(%dma_start3A_83 : memref<1024x32xf32, #tpu.memory_space<hbm>>) target(%dma_start3A_81 : memref<1024x32xf32, #tpu.memory_space<vmem_shared>>) target_semaphore(%arg28 : memref<!tpu.dma_semaphore, #tpu.memory_space<semaphore_mem>>)
    %broadcast_in_dim3A = arith.constant -1 : i32
    %broadcast_in_dim3A_84 = vector.broadcast %broadcast_in_dim3A : i32 to vector<16xi32>
    %scan3A = arith.constant 0 : i32
    %scan3A_85 = arith.constant 0 : i32
    %scan3A_86 = arith.constant 256 : i32
    %scan3A_87 = arith.addi %scan3A_85, %scan3A_86 : i32
    %scan3A_88 = arith.constant 1 : i32
    scf.for %scan3A_194 = %scan3A_85 to %scan3A_87 step %scan3A_88  : i32 {
      %mul3A_195 = arith.constant 16 : i32
      %mul3A_196 = arith.muli %scan3A_194, %mul3A_195 : i32
      %swap3A = arith.index_cast %mul3A_196 : i32 to index
      %swap3A_197 = tpu.vector_load %arg12[%swap3A] {strides = array<i32>} : memref<4096xi32, #tpu.memory_space<vmem>>, vector<16xi32>,
      tpu.vector_store %arg12[%swap3A], %broadcast_in_dim3A_84 {strides = array<i32>} : memref<4096xi32, #tpu.memory_space<vmem>>, vector<16xi32>,
    }
    %scan3A_89 = arith.constant 256 : i32
    %dma_wait3A = arith.constant 0 : i32
    %dma_wait3A_90 = tpu.memref_slice %arg2[%select_n3A_60, %dma_wait3A] : memref<384x128xi32, #tpu.memory_space<hbm>> -> memref<16x128xi32, #tpu.memory_space<hbm>>
    %dma_wait3A_91 = arith.constant 0 : i32
    %dma_wait3A_92 = tpu.memref_slice %arg2[%select_n3A_60, %dma_wait3A_91] : memref<384x128xi32, #tpu.memory_space<hbm>> -> memref<16x128xi32, #tpu.memory_space<hbm>>
    tpu.wait_dma2 semaphore(%arg26 : memref<!tpu.dma_semaphore, #tpu.memory_space<semaphore_mem>>) src(%dma_wait3A_92 : memref<16x128xi32, #tpu.memory_space<hbm>>) dst(%arg10 : memref<16x128xi32, #tpu.memory_space<vmem>>)
    %dma_wait3A_93 = arith.constant 0 : i32
    %dma_wait3A_94 = tpu.memref_slice %arg2[%add3A_65, %dma_wait3A_93] : memref<384x128xi32, #tpu.memory_space<hbm>> -> memref<16x128xi32, #tpu.memory_space<hbm>>
    %dma_wait3A_95 = arith.constant 0 : i32
    %dma_wait3A_96 = tpu.memref_slice %arg2[%add3A_65, %dma_wait3A_95] : memref<384x128xi32, #tpu.memory_space<hbm>> -> memref<16x128xi32, #tpu.memory_space<hbm>>
    tpu.wait_dma2 semaphore(%arg27 : memref<!tpu.dma_semaphore, #tpu.memory_space<semaphore_mem>>) src(%dma_wait3A_96 : memref<16x128xi32, #tpu.memory_space<hbm>>) dst(%arg11 : memref<16x128xi32, #tpu.memory_space<vmem>>)
    %iota3A = tpu.iota {dimensions = array<i32: 0>} : vector<16xi32>
    %scan3A_97 = arith.constant 0 : i32
    %scan3A_98 = arith.constant 0 : i32
    %scan3A_99 = arith.constant 128 : i32
    %scan3A_100 = arith.addi %scan3A_98, %scan3A_99 : i32
    %scan3A_101 = arith.constant 1 : i32
    scf.for %scan3A_194 = %scan3A_98 to %scan3A_100 step %scan3A_101  : i32 {
      %jit3A_195 = arith.constant 8 : i32
      %div3A_196 = arith.divsi %scan3A_194, %jit3A_195 : i32
      %sign3A_197 = arith.constant 0 : i32
      %sign3A_198 = arith.cmpi sgt, %scan3A_194, %sign3A_197 : i32
      %sign3A_199 = arith.extui %sign3A_198 : i1 to i32
      %sign3A_200 = arith.constant 0 : i32
      %sign3A_201 = arith.cmpi slt, %scan3A_194, %sign3A_200 : i32
      %sign3A_202 = arith.extui %sign3A_201 : i1 to i32
      %sign3A_203 = arith.subi %sign3A_199, %sign3A_202 : i32
      %sign3A_204 = arith.constant 0 : i32
      %sign3A_205 = arith.cmpi sgt, %jit3A_195, %sign3A_204 : i32
      %sign3A_206 = arith.extui %sign3A_205 : i1 to i32
      %sign3A_207 = arith.constant 0 : i32
      %sign3A_208 = arith.cmpi slt, %jit3A_195, %sign3A_207 : i32
      %sign3A_209 = arith.extui %sign3A_208 : i1 to i32
      %sign3A_210 = arith.subi %sign3A_206, %sign3A_209 : i32
      %ne3A_211 = arith.cmpi ne, %sign3A_203, %sign3A_210 : i32
      %rem3A_212 = arith.remsi %scan3A_194, %jit3A_195 : i32
      %ne3A_213 = arith.constant 0 : i32
      %ne3A_214 = arith.cmpi ne, %rem3A_212, %ne3A_213 : i32
      %and3A_215 = arith.andi %ne3A_211, %ne3A_214 : i1
      %sub3A_216 = arith.constant 1 : i32
      %sub3A_217 = arith.subi %div3A_196, %sub3A_216 : i32
      %select_n3A_218 = arith.select %and3A_215, %sub3A_217, %div3A_196 : i32
      %jit3A_219 = arith.constant 8 : i32
      %eq3A_220 = arith.constant 0 : i32
      %eq3A_221 = arith.cmpi eq, %jit3A_219, %eq3A_220 : i32
      %jit3A_222 = arith.constant 1 : i32
      %select_n3A_223 = arith.select %eq3A_221, %jit3A_222, %jit3A_219 : i32
      %rem3A_224 = arith.remsi %scan3A_194, %select_n3A_223 : i32
      %ne3A_225 = arith.constant 0 : i32
      %ne3A_226 = arith.cmpi ne, %rem3A_224, %ne3A_225 : i32
      %lt3A_227 = arith.constant 0 : i32
      %lt3A_228 = arith.cmpi slt, %rem3A_224, %lt3A_227 : i32
      %lt3A_229 = arith.constant 0 : i32
      %lt3A_230 = arith.cmpi slt, %select_n3A_223, %lt3A_229 : i32
      %ne3A_231 = arith.xori %lt3A_228, %lt3A_230 : i1
      %and3A_232 = arith.andi %ne3A_231, %ne3A_226 : i1
      %add3A_233 = arith.addi %rem3A_224, %select_n3A_223 : i32
      %select_n3A_234 = arith.select %and3A_232, %add3A_233, %rem3A_224 : i32
      %mul3A_235 = arith.constant 16 : i32
      %mul3A_236 = arith.muli %select_n3A_234, %mul3A_235 : i32
      %get3A = arith.index_cast %select_n3A_218 : i32 to index
      %get3A_237 = arith.index_cast %mul3A_236 : i32 to index
      %get3A_238 = tpu.vector_load %arg10[%get3A, %get3A_237] {strides = array<i32>} : memref<16x128xi32, #tpu.memory_space<vmem>>, vector<16xi32>,
      %get3A_239 = arith.index_cast %select_n3A_218 : i32 to index
      %get3A_240 = arith.index_cast %mul3A_236 : i32 to index
      %get3A_241 = tpu.vector_load %arg11[%get3A_239, %get3A_240] {strides = array<i32>} : memref<16x128xi32, #tpu.memory_space<vmem>>, vector<16xi32>,
      %mul3A_242 = arith.constant 16 : i32
      %mul3A_243 = arith.muli %scan3A_194, %mul3A_242 : i32
      %add3A_244 = arith.addi %mul3A_34, %mul3A_243 : i32
      %add3A_245 = vector.broadcast %add3A_244 : i32 to vector<16xi32>
      %add3A_246 = arith.addi %add3A_245, %iota3A : vector<16xi32>
      %mul3A_247 = arith.constant 16384 : i32
      %mul3A_248 = vector.broadcast %mul3A_247 : i32 to vector<16xi32>
      %mul3A_249 = arith.muli %get3A_241, %mul3A_248 : vector<16xi32>
      %add3A_250 = arith.addi %mul3A_249, %add3A_246 : vector<16xi32>
      %ge3A = vector.broadcast %add3A_32 : i32 to vector<16xi32>
      %ge3A_251 = arith.cmpi sge, %get3A_238, %ge3A : vector<16xi32>
      %add3A_252 = arith.constant 4096 : i32
      %add3A_253 = arith.addi %add3A_32, %add3A_252 : i32
      %lt3A_254 = vector.broadcast %add3A_253 : i32 to vector<16xi32>
      %lt3A_255 = arith.cmpi slt, %get3A_238, %lt3A_254 : vector<16xi32>
      %and3A_256 = arith.andi %ge3A_251, %lt3A_255 : vector<16xi1>
      %sub3A_257 = vector.broadcast %add3A_32 : i32 to vector<16xi32>
      %sub3A_258 = arith.subi %get3A_238, %sub3A_257 : vector<16xi32>
      %jit3A_259 = arith.constant 2147483647 : i32
      %broadcast_in_dim3A_260 = vector.broadcast %jit3A_259 : i32 to vector<16xi32>
      %select_n3A_261 = arith.select %and3A_256, %sub3A_258, %broadcast_in_dim3A_260 : vector<16xi1>, vector<16xi32>
      %jit3A_262 = arith.constant -1 : i32
      %broadcast_in_dim3A_263 = vector.broadcast %jit3A_262 : i32 to vector<16xi32>
      %select_n3A_264 = arith.select %and3A_256, %add3A_250, %broadcast_in_dim3A_263 : vector<16xi1>, vector<16xi32>
      %masked_sort3A = arith.constant dense<true> : vector<16xi1>
      %masked_sort3A_265 = arith.constant -2147483648 : i32
      %masked_sort3A_266 = vector.broadcast %masked_sort3A_265 : i32 to vector<16xi32>
      %masked_sort3A_267 = arith.xori %select_n3A_261, %masked_sort3A_266 : vector<16xi32>
      %masked_sort3A_268, %masked_sort3A_269, %masked_sort3A_270 = tpu.sort %masked_sort3A_267, %select_n3A_264 masked %masked_sort3A : (vector<16xi32>, vector<16xi32>, vector<16xi1>) -> (vector<16xi1>, vector<16xi32>, vector<16xi32>)
      %masked_sort3A_271 = arith.xori %masked_sort3A_269, %masked_sort3A_266 : vector<16xi32>
      %sub3A_272 = arith.constant 1 : i32
      %sub3A_273 = vector.broadcast %sub3A_272 : i32 to vector<16xi32>
      %sub3A_274 = arith.subi %iota3A, %sub3A_273 : vector<16xi32>
      %max3A = arith.constant 0 : i32
      %max3A_275 = vector.broadcast %max3A : i32 to vector<16xi32>
      %max3A_276 = arith.maxsi %sub3A_274, %max3A_275 : vector<16xi32>
      %broadcast_in_dim3A_277 = vector.shape_cast %max3A_276 : vector<16xi32> to vector<16x1xi32>
      %gather3A = vector.shape_cast %broadcast_in_dim3A_277 : vector<16x1xi32> to vector<16xi32>
      %gather3A_278 = tpu.dynamic_gather %masked_sort3A_271[%gather3A] in [0] : vector<16xi32>, vector<16xi32> -> vector<16xi32>
      %broadcast_in_dim3A_279 = vector.shape_cast %max3A_276 : vector<16xi32> to vector<16x1xi32>
      %gather3A_280 = vector.shape_cast %broadcast_in_dim3A_279 : vector<16x1xi32> to vector<16xi32>
      %gather3A_281 = tpu.dynamic_gather %masked_sort3A_270[%gather3A_280] in [0] : vector<16xi32>, vector<16xi32> -> vector<16xi32>
      %ge3A_282 = arith.constant 1 : i32
      %ge3A_283 = vector.broadcast %ge3A_282 : i32 to vector<16xi32>
      %ge3A_284 = arith.cmpi sge, %iota3A, %ge3A_283 : vector<16xi32>
      %eq3A_285 = arith.cmpi eq, %gather3A_278, %masked_sort3A_271 : vector<16xi32>
      %and3A_286 = arith.andi %ge3A_284, %eq3A_285 : vector<16xi1>
      %max3A_287 = arith.maxsi %masked_sort3A_270, %gather3A_281 : vector<16xi32>
      %select_n3A_288 = arith.select %and3A_286, %max3A_287, %masked_sort3A_270 : vector<16xi1>, vector<16xi32>
      %sub3A_289 = arith.constant 2 : i32
      %sub3A_290 = vector.broadcast %sub3A_289 : i32 to vector<16xi32>
      %sub3A_291 = arith.subi %iota3A, %sub3A_290 : vector<16xi32>
      %max3A_292 = arith.constant 0 : i32
      %max3A_293 = vector.broadcast %max3A_292 : i32 to vector<16xi32>
      %max3A_294 = arith.maxsi %sub3A_291, %max3A_293 : vector<16xi32>
      %broadcast_in_dim3A_295 = vector.shape_cast %max3A_294 : vector<16xi32> to vector<16x1xi32>
      %gather3A_296 = vector.shape_cast %broadcast_in_dim3A_295 : vector<16x1xi32> to vector<16xi32>
      %gather3A_297 = tpu.dynamic_gather %masked_sort3A_271[%gather3A_296] in [0] : vector<16xi32>, vector<16xi32> -> vector<16xi32>
      %broadcast_in_dim3A_298 = vector.shape_cast %max3A_294 : vector<16xi32> to vector<16x1xi32>
      %gather3A_299 = vector.shape_cast %broadcast_in_dim3A_298 : vector<16x1xi32> to vector<16xi32>
      %gather3A_300 = tpu.dynamic_gather %select_n3A_288[%gather3A_299] in [0] : vector<16xi32>, vector<16xi32> -> vector<16xi32>
      %ge3A_301 = arith.constant 2 : i32
      %ge3A_302 = vector.broadcast %ge3A_301 : i32 to vector<16xi32>
      %ge3A_303 = arith.cmpi sge, %iota3A, %ge3A_302 : vector<16xi32>
      %eq3A_304 = arith.cmpi eq, %gather3A_297, %masked_sort3A_271 : vector<16xi32>
      %and3A_305 = arith.andi %ge3A_303, %eq3A_304 : vector<16xi1>
      %max3A_306 = arith.maxsi %select_n3A_288, %gather3A_300 : vector<16xi32>
      %select_n3A_307 = arith.select %and3A_305, %max3A_306, %select_n3A_288 : vector<16xi1>, vector<16xi32>
      %sub3A_308 = arith.constant 4 : i32
      %sub3A_309 = vector.broadcast %sub3A_308 : i32 to vector<16xi32>
      %sub3A_310 = arith.subi %iota3A, %sub3A_309 : vector<16xi32>
      %max3A_311 = arith.constant 0 : i32
      %max3A_312 = vector.broadcast %max3A_311 : i32 to vector<16xi32>
      %max3A_313 = arith.maxsi %sub3A_310, %max3A_312 : vector<16xi32>
      %broadcast_in_dim3A_314 = vector.shape_cast %max3A_313 : vector<16xi32> to vector<16x1xi32>
      %gather3A_315 = vector.shape_cast %broadcast_in_dim3A_314 : vector<16x1xi32> to vector<16xi32>
      %gather3A_316 = tpu.dynamic_gather %masked_sort3A_271[%gather3A_315] in [0] : vector<16xi32>, vector<16xi32> -> vector<16xi32>
      %broadcast_in_dim3A_317 = vector.shape_cast %max3A_313 : vector<16xi32> to vector<16x1xi32>
      %gather3A_318 = vector.shape_cast %broadcast_in_dim3A_317 : vector<16x1xi32> to vector<16xi32>
      %gather3A_319 = tpu.dynamic_gather %select_n3A_307[%gather3A_318] in [0] : vector<16xi32>, vector<16xi32> -> vector<16xi32>
      %ge3A_320 = arith.constant 4 : i32
      %ge3A_321 = vector.broadcast %ge3A_320 : i32 to vector<16xi32>
      %ge3A_322 = arith.cmpi sge, %iota3A, %ge3A_321 : vector<16xi32>
      %eq3A_323 = arith.cmpi eq, %gather3A_316, %masked_sort3A_271 : vector<16xi32>
      %and3A_324 = arith.andi %ge3A_322, %eq3A_323 : vector<16xi1>
      %max3A_325 = arith.maxsi %select_n3A_307, %gather3A_319 : vector<16xi32>
      %select_n3A_326 = arith.select %and3A_324, %max3A_325, %select_n3A_307 : vector<16xi1>, vector<16xi32>
      %sub3A_327 = arith.constant 8 : i32
      %sub3A_328 = vector.broadcast %sub3A_327 : i32 to vector<16xi32>
      %sub3A_329 = arith.subi %iota3A, %sub3A_328 : vector<16xi32>
      %max3A_330 = arith.constant 0 : i32
      %max3A_331 = vector.broadcast %max3A_330 : i32 to vector<16xi32>
      %max3A_332 = arith.maxsi %sub3A_329, %max3A_331 : vector<16xi32>
      %broadcast_in_dim3A_333 = vector.shape_cast %max3A_332 : vector<16xi32> to vector<16x1xi32>
      %gather3A_334 = vector.shape_cast %broadcast_in_dim3A_333 : vector<16x1xi32> to vector<16xi32>
      %gather3A_335 = tpu.dynamic_gather %masked_sort3A_271[%gather3A_334] in [0] : vector<16xi32>, vector<16xi32> -> vector<16xi32>
      %broadcast_in_dim3A_336 = vector.shape_cast %max3A_332 : vector<16xi32> to vector<16x1xi32>
      %gather3A_337 = vector.shape_cast %broadcast_in_dim3A_336 : vector<16x1xi32> to vector<16xi32>
      %gather3A_338 = tpu.dynamic_gather %select_n3A_326[%gather3A_337] in [0] : vector<16xi32>, vector<16xi32> -> vector<16xi32>
      %ge3A_339 = arith.constant 8 : i32
      %ge3A_340 = vector.broadcast %ge3A_339 : i32 to vector<16xi32>
      %ge3A_341 = arith.cmpi sge, %iota3A, %ge3A_340 : vector<16xi32>
      %eq3A_342 = arith.cmpi eq, %gather3A_335, %masked_sort3A_271 : vector<16xi32>
      %and3A_343 = arith.andi %ge3A_341, %eq3A_342 : vector<16xi1>
      %max3A_344 = arith.maxsi %select_n3A_326, %gather3A_338 : vector<16xi32>
      %select_n3A_345 = arith.select %and3A_343, %max3A_344, %select_n3A_326 : vector<16xi1>, vector<16xi32>
      %add3A_346 = arith.constant 1 : i32
      %add3A_347 = vector.broadcast %add3A_346 : i32 to vector<16xi32>
      %add3A_348 = arith.addi %iota3A, %add3A_347 : vector<16xi32>
      %min3A = arith.constant 15 : i32
      %min3A_349 = vector.broadcast %min3A : i32 to vector<16xi32>
      %min3A_350 = arith.minsi %add3A_348, %min3A_349 : vector<16xi32>
      %broadcast_in_dim3A_351 = vector.shape_cast %min3A_350 : vector<16xi32> to vector<16x1xi32>
      %gather3A_352 = vector.shape_cast %broadcast_in_dim3A_351 : vector<16x1xi32> to vector<16xi32>
      %gather3A_353 = tpu.dynamic_gather %masked_sort3A_271[%gather3A_352] in [0] : vector<16xi32>, vector<16xi32> -> vector<16xi32>
      %eq3A_354 = arith.constant 15 : i32
      %eq3A_355 = vector.broadcast %eq3A_354 : i32 to vector<16xi32>
      %eq3A_356 = arith.cmpi eq, %iota3A, %eq3A_355 : vector<16xi32>
      %ne3A_357 = arith.cmpi ne, %gather3A_353, %masked_sort3A_271 : vector<16xi32>
      %or3A = arith.ori %eq3A_356, %ne3A_357 : vector<16xi1>
      %ne3A_358 = arith.constant 2147483647 : i32
      %ne3A_359 = vector.broadcast %ne3A_358 : i32 to vector<16xi32>
      %ne3A_360 = arith.cmpi ne, %masked_sort3A_271, %ne3A_359 : vector<16xi32>
      %and3A_361 = arith.andi %or3A, %ne3A_360 : vector<16xi1>
      %jit3A_362 = arith.constant 0 : i32
      %broadcast_in_dim3A_363 = vector.broadcast %jit3A_362 : i32 to vector<16xi32>
      %select_n3A_364 = arith.select %and3A_361, %masked_sort3A_271, %broadcast_in_dim3A_363 : vector<16xi1>, vector<16xi32>
      %gather3A_365 = tpu.vector_load_idx %arg12[%select_n3A_364] masked %and3A_361 : memref<4096xi32, #tpu.memory_space<vmem>>[vector<16xi32>], vector<16xi32>, vector<16xi1>
      %max3A_366 = arith.maxsi %gather3A_365, %select_n3A_345 : vector<16xi32>
      tpu.vector_store_idx %arg12[%select_n3A_364], %max3A_366 masked %and3A_361 : memref<4096xi32, #tpu.memory_space<vmem>>[vector<16xi32>], vector<16xi32>, vector<16xi1>
    }
    %scan3A_102 = arith.constant 128 : i32
    %dma_wait3A_103 = arith.constant 256 : i32
    %dma_wait3A_104 = arith.constant 0 : i32
    %dma_wait3A_105 = tpu.memref_slice %arg2[%dma_wait3A_103, %dma_wait3A_104] : memref<384x128xi32, #tpu.memory_space<hbm>> -> memref<128x128xi32, #tpu.memory_space<hbm>>
    %dma_wait3A_106 = arith.constant 256 : i32
    %dma_wait3A_107 = arith.constant 0 : i32
    %dma_wait3A_108 = tpu.memref_slice %arg2[%dma_wait3A_106, %dma_wait3A_107] : memref<384x128xi32, #tpu.memory_space<hbm>> -> memref<128x128xi32, #tpu.memory_space<hbm>>
    tpu.wait_dma2 semaphore(%arg28 : memref<!tpu.dma_semaphore, #tpu.memory_space<semaphore_mem>>) src(%dma_wait3A_108 : memref<128x128xi32, #tpu.memory_space<hbm>>) dst(%arg23 : memref<128x128xi32, #tpu.memory_space<vmem>>)
    %dma_wait3A_109 = arith.constant 0 : i32
    %dma_wait3A_110 = tpu.memref_slice %arg24[%mul3A_36, %dma_wait3A_109] : memref<16384x16xf32, #tpu.memory_space<vmem_shared>> -> memref<1024x16xf32, #tpu.memory_space<vmem_shared>>
    %dma_wait3A_111 = arith.constant 0 : i32
    %dma_wait3A_112 = tpu.memref_slice %arg3[%mul3A_36, %dma_wait3A_111] : memref<16384x16xf32, #tpu.memory_space<hbm>> -> memref<1024x16xf32, #tpu.memory_space<hbm>>
    tpu.wait_dma2 semaphore(%arg28 : memref<!tpu.dma_semaphore, #tpu.memory_space<semaphore_mem>>) src(%dma_wait3A_112 : memref<1024x16xf32, #tpu.memory_space<hbm>>) dst(%dma_wait3A_110 : memref<1024x16xf32, #tpu.memory_space<vmem_shared>>)
    %dma_wait3A_113 = arith.constant 0 : i32
    %dma_wait3A_114 = tpu.memref_slice %arg25[%mul3A_36, %dma_wait3A_113] : memref<16384x32xf32, #tpu.memory_space<vmem_shared>> -> memref<1024x32xf32, #tpu.memory_space<vmem_shared>>
    %dma_wait3A_115 = arith.constant 0 : i32
    %dma_wait3A_116 = tpu.memref_slice %arg4[%mul3A_36, %dma_wait3A_115] : memref<16384x32xf32, #tpu.memory_space<hbm>> -> memref<1024x32xf32, #tpu.memory_space<hbm>>
    tpu.wait_dma2 semaphore(%arg28 : memref<!tpu.dma_semaphore, #tpu.memory_space<semaphore_mem>>) src(%dma_wait3A_116 : memref<1024x32xf32, #tpu.memory_space<hbm>>) dst(%dma_wait3A_114 : memref<1024x32xf32, #tpu.memory_space<vmem_shared>>)
    "tpu.region"() ({
      %run_scoped3A = tpu.sem_alloc : memref<!tpu.dma_semaphore, #tpu.memory_space<semaphore_mem>>
      %dma_start3A_194 = arith.constant 0 : i32
      %dma_start3A_195 = tpu.memref_slice %arg13[%arg1, %dma_start3A_194] : memref<16x4096xi32, #tpu.memory_space<vmem_shared>> -> memref<1x4096xi32, #tpu.memory_space<vmem_shared>>
      %dma_start3A_196 = tpu.memref_squeeze %dma_start3A_195 : memref<1x4096xi32, #tpu.memory_space<vmem_shared>> -> memref<4096xi32, #tpu.memory_space<vmem_shared>>
      %dma_start3A_197 = arith.constant 0 : i32
      %dma_start3A_198 = tpu.memref_slice %arg13[%arg1, %dma_start3A_197] : memref<16x4096xi32, #tpu.memory_space<vmem_shared>> -> memref<1x4096xi32, #tpu.memory_space<vmem_shared>>
      %dma_start3A_199 = tpu.memref_squeeze %dma_start3A_198 : memref<1x4096xi32, #tpu.memory_space<vmem_shared>> -> memref<4096xi32, #tpu.memory_space<vmem_shared>>
      tpu.enqueue_dma source(%arg12 : memref<4096xi32, #tpu.memory_space<vmem>>) target(%dma_start3A_199 : memref<4096xi32, #tpu.memory_space<vmem_shared>>) target_semaphore(%run_scoped3A : memref<!tpu.dma_semaphore, #tpu.memory_space<semaphore_mem>>)
      %dma_wait3A_200 = arith.constant 0 : i32
      %dma_wait3A_201 = tpu.memref_slice %arg13[%arg1, %dma_wait3A_200] : memref<16x4096xi32, #tpu.memory_space<vmem_shared>> -> memref<1x4096xi32, #tpu.memory_space<vmem_shared>>
      %dma_wait3A_202 = tpu.memref_squeeze %dma_wait3A_201 : memref<1x4096xi32, #tpu.memory_space<vmem_shared>> -> memref<4096xi32, #tpu.memory_space<vmem_shared>>
      %dma_wait3A_203 = arith.constant 0 : i32
      %dma_wait3A_204 = tpu.memref_slice %arg13[%arg1, %dma_wait3A_203] : memref<16x4096xi32, #tpu.memory_space<vmem_shared>> -> memref<1x4096xi32, #tpu.memory_space<vmem_shared>>
      %dma_wait3A_205 = tpu.memref_squeeze %dma_wait3A_204 : memref<1x4096xi32, #tpu.memory_space<vmem_shared>> -> memref<4096xi32, #tpu.memory_space<vmem_shared>>
      tpu.wait_dma2 semaphore(%run_scoped3A : memref<!tpu.dma_semaphore, #tpu.memory_space<semaphore_mem>>) src(%arg12 : memref<4096xi32, #tpu.memory_space<vmem>>) dst(%dma_wait3A_205 : memref<4096xi32, #tpu.memory_space<vmem_shared>>)
      tpu.yield
    }) : () -> ()
    %barrier3A = arith.constant 0 : index
    tpu.barrier barrier_id(%barrier3A)
    %jit3A_117 = arith.constant 8 : i32
    %div3A_118 = arith.divsi %arg1, %jit3A_117 : i32
    %sign3A_119 = arith.constant 0 : i32
    %sign3A_120 = arith.cmpi sgt, %arg1, %sign3A_119 : i32
    %sign3A_121 = arith.extui %sign3A_120 : i1 to i32
    %sign3A_122 = arith.constant 0 : i32
    %sign3A_123 = arith.cmpi slt, %arg1, %sign3A_122 : i32
    %sign3A_124 = arith.extui %sign3A_123 : i1 to i32
    %sign3A_125 = arith.subi %sign3A_121, %sign3A_124 : i32
    %sign3A_126 = arith.constant 0 : i32
    %sign3A_127 = arith.cmpi sgt, %jit3A_117, %sign3A_126 : i32
    %sign3A_128 = arith.extui %sign3A_127 : i1 to i32
    %sign3A_129 = arith.constant 0 : i32
    %sign3A_130 = arith.cmpi slt, %jit3A_117, %sign3A_129 : i32
    %sign3A_131 = arith.extui %sign3A_130 : i1 to i32
    %sign3A_132 = arith.subi %sign3A_128, %sign3A_131 : i32
    %ne3A_133 = arith.cmpi ne, %sign3A_125, %sign3A_132 : i32
    %rem3A_134 = arith.remsi %arg1, %jit3A_117 : i32
    %ne3A_135 = arith.constant 0 : i32
    %ne3A_136 = arith.cmpi ne, %rem3A_134, %ne3A_135 : i32
    %and3A_137 = arith.andi %ne3A_133, %ne3A_136 : i1
    %sub3A_138 = arith.constant 1 : i32
    %sub3A_139 = arith.subi %div3A_118, %sub3A_138 : i32
    %select_n3A_140 = arith.select %and3A_137, %sub3A_139, %div3A_118 : i32
    %jit3A_141 = arith.constant 8 : i32
    %eq3A_142 = arith.constant 0 : i32
    %eq3A_143 = arith.cmpi eq, %jit3A_141, %eq3A_142 : i32
    %jit3A_144 = arith.constant 1 : i32
    %select_n3A_145 = arith.select %eq3A_143, %jit3A_144, %jit3A_141 : i32
    %rem3A_146 = arith.remsi %arg1, %select_n3A_145 : i32
    %ne3A_147 = arith.constant 0 : i32
    %ne3A_148 = arith.cmpi ne, %rem3A_146, %ne3A_147 : i32
    %lt3A_149 = arith.constant 0 : i32
    %lt3A_150 = arith.cmpi slt, %rem3A_146, %lt3A_149 : i32
    %lt3A_151 = arith.constant 0 : i32
    %lt3A_152 = arith.cmpi slt, %select_n3A_145, %lt3A_151 : i32
    %ne3A_153 = arith.xori %lt3A_150, %lt3A_152 : i1
    %and3A_154 = arith.andi %ne3A_153, %ne3A_148 : i1
    %add3A_155 = arith.addi %rem3A_146, %select_n3A_145 : i32
    %select_n3A_156 = arith.select %and3A_154, %add3A_155, %rem3A_146 : i32
    %mul3A_157 = arith.constant 512 : i32
    %mul3A_158 = arith.muli %select_n3A_156, %mul3A_157 : i32
    "tpu.region"() ({
      %run_scoped3A = tpu.sem_alloc : memref<!tpu.dma_semaphore, #tpu.memory_space<semaphore_mem>>
      %dma_start3A_194 = tpu.memref_slice %arg13[%select_n3A_140, %mul3A_158] : memref<16x4096xi32, #tpu.memory_space<vmem_shared>> -> memref<1x512xi32, #tpu.memory_space<vmem_shared>>
      %dma_start3A_195 = tpu.memref_squeeze %dma_start3A_194 : memref<1x512xi32, #tpu.memory_space<vmem_shared>> -> memref<512xi32, #tpu.memory_space<vmem_shared>>
      %dma_start3A_196 = tpu.memref_slice %arg13[%select_n3A_140, %mul3A_158] : memref<16x4096xi32, #tpu.memory_space<vmem_shared>> -> memref<1x512xi32, #tpu.memory_space<vmem_shared>>
      %dma_start3A_197 = tpu.memref_squeeze %dma_start3A_196 : memref<1x512xi32, #tpu.memory_space<vmem_shared>> -> memref<512xi32, #tpu.memory_space<vmem_shared>>
      tpu.enqueue_dma source(%dma_start3A_197 : memref<512xi32, #tpu.memory_space<vmem_shared>>) target(%arg14 : memref<512xi32, #tpu.memory_space<vmem>>) target_semaphore(%run_scoped3A : memref<!tpu.dma_semaphore, #tpu.memory_space<semaphore_mem>>)
      %dma_wait3A_198 = tpu.memref_slice %arg13[%select_n3A_140, %mul3A_158] : memref<16x4096xi32, #tpu.memory_space<vmem_shared>> -> memref<1x512xi32, #tpu.memory_space<vmem_shared>>
      %dma_wait3A_199 = tpu.memref_squeeze %dma_wait3A_198 : memref<1x512xi32, #tpu.memory_space<vmem_shared>> -> memref<512xi32, #tpu.memory_space<vmem_shared>>
      %dma_wait3A_200 = tpu.memref_slice %arg13[%select_n3A_140, %mul3A_158] : memref<16x4096xi32, #tpu.memory_space<vmem_shared>> -> memref<1x512xi32, #tpu.memory_space<vmem_shared>>
      %dma_wait3A_201 = tpu.memref_squeeze %dma_wait3A_200 : memref<1x512xi32, #tpu.memory_space<vmem_shared>> -> memref<512xi32, #tpu.memory_space<vmem_shared>>
      tpu.wait_dma2 semaphore(%run_scoped3A : memref<!tpu.dma_semaphore, #tpu.memory_space<semaphore_mem>>) src(%dma_wait3A_201 : memref<512xi32, #tpu.memory_space<vmem_shared>>) dst(%arg14 : memref<512xi32, #tpu.memory_space<vmem>>)
      tpu.yield
    }) : () -> ()
    %scan3A_159 = arith.constant 0 : i32
    %scan3A_160 = arith.constant 1 : i32
    %scan3A_161 = arith.constant 7 : i32
    %scan3A_162 = arith.addi %scan3A_160, %scan3A_161 : i32
    %scan3A_163 = arith.constant 1 : i32
    scf.for %scan3A_194 = %scan3A_160 to %scan3A_162 step %scan3A_163  : i32 {
      %mul3A_195 = arith.constant 2 : i32
      %mul3A_196 = arith.muli %scan3A_194, %mul3A_195 : i32
      %add3A_197 = arith.addi %mul3A_196, %select_n3A_140 : i32
      "tpu.region"() ({
        %run_scoped3A = tpu.sem_alloc : memref<!tpu.dma_semaphore, #tpu.memory_space<semaphore_mem>>
        %dma_start3A_204 = tpu.memref_slice %arg13[%add3A_197, %mul3A_158] : memref<16x4096xi32, #tpu.memory_space<vmem_shared>> -> memref<1x512xi32, #tpu.memory_space<vmem_shared>>
        %dma_start3A_205 = tpu.memref_squeeze %dma_start3A_204 : memref<1x512xi32, #tpu.memory_space<vmem_shared>> -> memref<512xi32, #tpu.memory_space<vmem_shared>>
        %dma_start3A_206 = tpu.memref_slice %arg13[%add3A_197, %mul3A_158] : memref<16x4096xi32, #tpu.memory_space<vmem_shared>> -> memref<1x512xi32, #tpu.memory_space<vmem_shared>>
        %dma_start3A_207 = tpu.memref_squeeze %dma_start3A_206 : memref<1x512xi32, #tpu.memory_space<vmem_shared>> -> memref<512xi32, #tpu.memory_space<vmem_shared>>
        tpu.enqueue_dma source(%dma_start3A_207 : memref<512xi32, #tpu.memory_space<vmem_shared>>) target(%arg15 : memref<512xi32, #tpu.memory_space<vmem>>) target_semaphore(%run_scoped3A : memref<!tpu.dma_semaphore, #tpu.memory_space<semaphore_mem>>)
        %dma_wait3A_208 = tpu.memref_slice %arg13[%add3A_197, %mul3A_158] : memref<16x4096xi32, #tpu.memory_space<vmem_shared>> -> memref<1x512xi32, #tpu.memory_space<vmem_shared>>
        %dma_wait3A_209 = tpu.memref_squeeze %dma_wait3A_208 : memref<1x512xi32, #tpu.memory_space<vmem_shared>> -> memref<512xi32, #tpu.memory_space<vmem_shared>>
        %dma_wait3A_210 = tpu.memref_slice %arg13[%add3A_197, %mul3A_158] : memref<16x4096xi32, #tpu.memory_space<vmem_shared>> -> memref<1x512xi32, #tpu.memory_space<vmem_shared>>
        %dma_wait3A_211 = tpu.memref_squeeze %dma_wait3A_210 : memref<1x512xi32, #tpu.memory_space<vmem_shared>> -> memref<512xi32, #tpu.memory_space<vmem_shared>>
        tpu.wait_dma2 semaphore(%run_scoped3A : memref<!tpu.dma_semaphore, #tpu.memory_space<semaphore_mem>>) src(%dma_wait3A_211 : memref<512xi32, #tpu.memory_space<vmem_shared>>) dst(%arg15 : memref<512xi32, #tpu.memory_space<vmem>>)
        tpu.yield
      }) : () -> ()
      %scan3A_198 = arith.constant 0 : i32
      %scan3A_199 = arith.constant 0 : i32
      %scan3A_200 = arith.constant 32 : i32
      %scan3A_201 = arith.addi %scan3A_199, %scan3A_200 : i32
      %scan3A_202 = arith.constant 1 : i32
      scf.for %scan3A_204 = %scan3A_199 to %scan3A_201 step %scan3A_202  : i32 {
        %mul3A_205 = arith.constant 16 : i32
        %mul3A_206 = arith.muli %scan3A_204, %mul3A_205 : i32
        %get3A = arith.index_cast %mul3A_206 : i32 to index
        %get3A_207 = tpu.vector_load %arg14[%get3A] {strides = array<i32>} : memref<512xi32, #tpu.memory_space<vmem>>, vector<16xi32>,
        %get3A_208 = arith.index_cast %mul3A_206 : i32 to index
        %get3A_209 = tpu.vector_load %arg15[%get3A_208] {strides = array<i32>} : memref<512xi32, #tpu.memory_space<vmem>>, vector<16xi32>,
        %max3A = arith.maxsi %get3A_207, %get3A_209 : vector<16xi32>
        %swap3A = arith.index_cast %mul3A_206 : i32 to index
        %swap3A_210 = tpu.vector_load %arg14[%swap3A] {strides = array<i32>} : memref<512xi32, #tpu.memory_space<vmem>>, vector<16xi32>,
        tpu.vector_store %arg14[%swap3A], %max3A {strides = array<i32>} : memref<512xi32, #tpu.memory_space<vmem>>, vector<16xi32>,
      }
      %scan3A_203 = arith.constant 32 : i32
    }
    %scan3A_164 = arith.constant 7 : i32
    %scan3A_165 = arith.constant 0 : i32
    %scan3A_166 = arith.constant 0 : i32
    %scan3A_167 = arith.constant 32 : i32
    %scan3A_168 = arith.addi %scan3A_166, %scan3A_167 : i32
    %scan3A_169 = arith.constant 1 : i32
    scf.for %scan3A_194 = %scan3A_166 to %scan3A_168 step %scan3A_169  : i32 {
      %mul3A_195 = arith.constant 16 : i32
      %mul3A_196 = arith.muli %scan3A_194, %mul3A_195 : i32
      %get3A = arith.index_cast %mul3A_196 : i32 to index
      %get3A_197 = tpu.vector_load %arg14[%get3A] {strides = array<i32>} : memref<512xi32, #tpu.memory_space<vmem>>, vector<16xi32>,
      %ge3A = arith.constant 0 : i32
      %ge3A_198 = vector.broadcast %ge3A : i32 to vector<16xi32>
      %ge3A_199 = arith.cmpi sge, %get3A_197, %ge3A_198 : vector<16xi32>
      %shift_right_arithmetic3A = arith.constant 14 : i32
      %shift_right_arithmetic3A_200 = vector.broadcast %shift_right_arithmetic3A : i32 to vector<16xi32>
      %shift_right_arithmetic3A_201 = arith.shrsi %get3A_197, %shift_right_arithmetic3A_200 : vector<16xi32>
      %jit3A_202 = arith.constant 0 : i32
      %broadcast_in_dim3A_203 = vector.broadcast %jit3A_202 : i32 to vector<16xi32>
      %select_n3A_204 = arith.select %ge3A_199, %shift_right_arithmetic3A_201, %broadcast_in_dim3A_203 : vector<16xi1>, vector<16xi32>
      %and3A_205 = arith.constant 16383 : i32
      %and3A_206 = vector.broadcast %and3A_205 : i32 to vector<16xi32>
      %and3A_207 = arith.andi %get3A_197, %and3A_206 : vector<16xi32>
      %jit3A_208 = arith.constant 0 : i32
      %broadcast_in_dim3A_209 = vector.broadcast %jit3A_208 : i32 to vector<16xi32>
      %select_n3A_210 = arith.select %ge3A_199, %and3A_207, %broadcast_in_dim3A_209 : vector<16xi1>, vector<16xi32>
      %swap3A = arith.index_cast %mul3A_196 : i32 to index
      %swap3A_211 = tpu.vector_load %arg16[%swap3A] {strides = array<i32>} : memref<512xi32, #tpu.memory_space<vmem>>, vector<16xi32>,
      tpu.vector_store %arg16[%swap3A], %select_n3A_210 {strides = array<i32>} : memref<512xi32, #tpu.memory_space<vmem>>, vector<16xi32>,
      %swap3A_212 = arith.index_cast %mul3A_196 : i32 to index
      %swap3A_213 = tpu.vector_load %arg22[%swap3A_212] {strides = array<i32>} : memref<512xi32, #tpu.memory_space<vmem>>, vector<16xi32>,
      tpu.vector_store %arg22[%swap3A_212], %select_n3A_204 {strides = array<i32>} : memref<512xi32, #tpu.memory_space<vmem>>, vector<16xi32>,
      %convert_element_type3A = arith.sitofp %select_n3A_204 : vector<16xi32> to vector<16xf32>
      %swap3A_214 = arith.index_cast %mul3A_196 : i32 to index
      %swap3A_215 = tpu.vector_load %arg20[%swap3A_214] {strides = array<i32>} : memref<512xf32, #tpu.memory_space<vmem>>, vector<16xf32>,
      tpu.vector_store %arg20[%swap3A_214], %convert_element_type3A {strides = array<i32>} : memref<512xf32, #tpu.memory_space<vmem>>, vector<16xf32>,
      %jit3A_216 = arith.constant 1.000000e+00 : f32
      %jit3A_217 = arith.constant 0.000000e+00 : f32
      %broadcast_in_dim3A_218 = vector.broadcast %jit3A_216 : f32 to vector<16xf32>
      %broadcast_in_dim3A_219 = vector.broadcast %jit3A_217 : f32 to vector<16xf32>
      %select_n3A_220 = arith.select %ge3A_199, %broadcast_in_dim3A_218, %broadcast_in_dim3A_219 : vector<16xi1>, vector<16xf32>
      %swap3A_221 = arith.index_cast %mul3A_196 : i32 to index
      %swap3A_222 = tpu.vector_load %arg21[%swap3A_221] {strides = array<i32>} : memref<512xf32, #tpu.memory_space<vmem>>, vector<16xf32>,
      tpu.vector_store %arg21[%swap3A_221], %select_n3A_220 {strides = array<i32>} : memref<512xf32, #tpu.memory_space<vmem>>, vector<16xf32>,
    }
    %scan3A_170 = arith.constant 32 : i32
    %scan3A_171 = arith.constant 0 : i32
    %scan3A_172 = arith.constant 0 : i32
    %scan3A_173 = arith.constant 32 : i32
    %scan3A_174 = arith.addi %scan3A_172, %scan3A_173 : i32
    %scan3A_175 = arith.constant 1 : i32
    scf.for %scan3A_194 = %scan3A_172 to %scan3A_174 step %scan3A_175  : i32 {
      %mul3A_195 = arith.constant 16 : i32
      %mul3A_196 = arith.muli %scan3A_194, %mul3A_195 : i32
      %get3A = arith.index_cast %mul3A_196 : i32 to index
      %get3A_197 = tpu.vector_load %arg16[%get3A] {strides = array<i32>} : memref<512xi32, #tpu.memory_space<vmem>>, vector<16xi32>,
      %shift_right_logical3A = arith.constant 7 : i32
      %shift_right_logical3A_198 = vector.broadcast %shift_right_logical3A : i32 to vector<16xi32>
      %shift_right_logical3A_199 = arith.shrui %get3A_197, %shift_right_logical3A_198 : vector<16xi32>
      %and3A_200 = arith.constant 127 : i32
      %and3A_201 = vector.broadcast %and3A_200 : i32 to vector<16xi32>
      %and3A_202 = arith.andi %get3A_197, %and3A_201 : vector<16xi32>
      %gather3A = tpu.vector_load_idx %arg23[%shift_right_logical3A_199, %and3A_202] : memref<128x128xi32, #tpu.memory_space<vmem>>[vector<16xi32>, vector<16xi32>], vector<16xi32>,
      %swap3A = arith.index_cast %mul3A_196 : i32 to index
      %swap3A_203 = tpu.vector_load %arg17[%swap3A] {strides = array<i32>} : memref<512xi32, #tpu.memory_space<vmem>>, vector<16xi32>,
      tpu.vector_store %arg17[%swap3A], %gather3A {strides = array<i32>} : memref<512xi32, #tpu.memory_space<vmem>>, vector<16xi32>,
    }
    %scan3A_176 = arith.constant 32 : i32
    %dma_start3A_177 = arith.constant 0 : i32
    %dma_start3A_178 = arith.constant 0 : i32
    %dma_start3A_179 = tpu.memref_slice %arg24[%dma_start3A_177, %dma_start3A_178] : memref<16384x16xf32, #tpu.memory_space<vmem_shared>> -> memref<16384x16xf32, #tpu.memory_space<vmem_shared>>
    tpu.enqueue_indirect_dma source(%dma_start3A_179 : memref<16384x16xf32, #tpu.memory_space<vmem_shared>>) target(%arg19 : memref<512x16xf32, #tpu.memory_space<vmem>>) offsets(%arg16 : memref<512xi32, #tpu.memory_space<vmem>>) semaphore(%arg27 : memref<!tpu.dma_semaphore, #tpu.memory_space<semaphore_mem>>)
    %dma_start3A_180 = arith.constant 0 : i32
    %dma_start3A_181 = arith.constant 0 : i32
    %dma_start3A_182 = tpu.memref_slice %arg25[%dma_start3A_180, %dma_start3A_181] : memref<16384x32xf32, #tpu.memory_space<vmem_shared>> -> memref<16384x32xf32, #tpu.memory_space<vmem_shared>>
    tpu.enqueue_indirect_dma source(%dma_start3A_182 : memref<16384x32xf32, #tpu.memory_space<vmem_shared>>) target(%arg18 : memref<512x32xf32, #tpu.memory_space<vmem>>) offsets(%arg17 : memref<512xi32, #tpu.memory_space<vmem>>) semaphore(%arg26 : memref<!tpu.dma_semaphore, #tpu.memory_space<semaphore_mem>>)
    %dma_wait3A_183 = arith.constant 0 : i32
    %dma_wait3A_184 = arith.constant 0 : i32
    %dma_wait3A_185 = tpu.memref_slice %arg25[%dma_wait3A_183, %dma_wait3A_184] : memref<16384x32xf32, #tpu.memory_space<vmem_shared>> -> memref<16384x32xf32, #tpu.memory_space<vmem_shared>>
    tpu.wait_indirect_dma semaphore(%arg26 : memref<!tpu.dma_semaphore, #tpu.memory_space<semaphore_mem>>) src(%dma_wait3A_185 : memref<16384x32xf32, #tpu.memory_space<vmem_shared>>) dst(%arg18 : memref<512x32xf32, #tpu.memory_space<vmem>>)
    %dma_wait3A_186 = arith.constant 0 : i32
    %dma_wait3A_187 = arith.constant 0 : i32
    %dma_wait3A_188 = tpu.memref_slice %arg24[%dma_wait3A_186, %dma_wait3A_187] : memref<16384x16xf32, #tpu.memory_space<vmem_shared>> -> memref<16384x16xf32, #tpu.memory_space<vmem_shared>>
    tpu.wait_indirect_dma semaphore(%arg27 : memref<!tpu.dma_semaphore, #tpu.memory_space<semaphore_mem>>) src(%dma_wait3A_188 : memref<16384x16xf32, #tpu.memory_space<vmem_shared>>) dst(%arg19 : memref<512x16xf32, #tpu.memory_space<vmem>>)
    %mul3A_189 = arith.constant 8192 : i32
    %mul3A_190 = arith.muli %arg0, %mul3A_189 : i32
    %mul3A_191 = arith.constant 512 : i32
    %mul3A_192 = arith.muli %arg1, %mul3A_191 : i32
    %add3A_193 = arith.addi %mul3A_190, %mul3A_192 : i32
    "tpu.region"() ({
      %run_scoped3A = tpu.sem_alloc : memref<!tpu.dma_semaphore, #tpu.memory_space<semaphore_mem>>
      %dma_start3A_194 = arith.constant 0 : i32
      %dma_start3A_195 = tpu.memref_slice %arg5[%add3A_193, %dma_start3A_194] : memref<16384x32xf32, #tpu.memory_space<hbm>> -> memref<512x32xf32, #tpu.memory_space<hbm>>
      %dma_start3A_196 = arith.constant 0 : i32
      %dma_start3A_197 = tpu.memref_slice %arg5[%add3A_193, %dma_start3A_196] : memref<16384x32xf32, #tpu.memory_space<hbm>> -> memref<512x32xf32, #tpu.memory_space<hbm>>
      tpu.enqueue_dma source(%arg18 : memref<512x32xf32, #tpu.memory_space<vmem>>) target(%dma_start3A_197 : memref<512x32xf32, #tpu.memory_space<hbm>>) target_semaphore(%run_scoped3A : memref<!tpu.dma_semaphore, #tpu.memory_space<semaphore_mem>>)
      %dma_wait3A_198 = arith.constant 0 : i32
      %dma_wait3A_199 = tpu.memref_slice %arg5[%add3A_193, %dma_wait3A_198] : memref<16384x32xf32, #tpu.memory_space<hbm>> -> memref<512x32xf32, #tpu.memory_space<hbm>>
      %dma_wait3A_200 = arith.constant 0 : i32
      %dma_wait3A_201 = tpu.memref_slice %arg5[%add3A_193, %dma_wait3A_200] : memref<16384x32xf32, #tpu.memory_space<hbm>> -> memref<512x32xf32, #tpu.memory_space<hbm>>
      tpu.wait_dma2 semaphore(%run_scoped3A : memref<!tpu.dma_semaphore, #tpu.memory_space<semaphore_mem>>) src(%arg18 : memref<512x32xf32, #tpu.memory_space<vmem>>) dst(%dma_wait3A_201 : memref<512x32xf32, #tpu.memory_space<hbm>>)
      tpu.yield
    }) : () -> ()
    "tpu.region"() ({
      %run_scoped3A = tpu.sem_alloc : memref<!tpu.dma_semaphore, #tpu.memory_space<semaphore_mem>>
      %dma_start3A_194 = arith.constant 0 : i32
      %dma_start3A_195 = tpu.memref_slice %arg6[%add3A_193, %dma_start3A_194] : memref<16384x16xf32, #tpu.memory_space<hbm>> -> memref<512x16xf32, #tpu.memory_space<hbm>>
      %dma_start3A_196 = arith.constant 0 : i32
      %dma_start3A_197 = tpu.memref_slice %arg6[%add3A_193, %dma_start3A_196] : memref<16384x16xf32, #tpu.memory_space<hbm>> -> memref<512x16xf32, #tpu.memory_space<hbm>>
      tpu.enqueue_dma source(%arg19 : memref<512x16xf32, #tpu.memory_space<vmem>>) target(%dma_start3A_197 : memref<512x16xf32, #tpu.memory_space<hbm>>) target_semaphore(%run_scoped3A : memref<!tpu.dma_semaphore, #tpu.memory_space<semaphore_mem>>)
      %dma_wait3A_198 = arith.constant 0 : i32
      %dma_wait3A_199 = tpu.memref_slice %arg6[%add3A_193, %dma_wait3A_198] : memref<16384x16xf32, #tpu.memory_space<hbm>> -> memref<512x16xf32, #tpu.memory_space<hbm>>
      %dma_wait3A_200 = arith.constant 0 : i32
      %dma_wait3A_201 = tpu.memref_slice %arg6[%add3A_193, %dma_wait3A_200] : memref<16384x16xf32, #tpu.memory_space<hbm>> -> memref<512x16xf32, #tpu.memory_space<hbm>>
      tpu.wait_dma2 semaphore(%run_scoped3A : memref<!tpu.dma_semaphore, #tpu.memory_space<semaphore_mem>>) src(%arg19 : memref<512x16xf32, #tpu.memory_space<vmem>>) dst(%dma_wait3A_201 : memref<512x16xf32, #tpu.memory_space<hbm>>)
      tpu.yield
    }) : () -> ()
    "tpu.region"() ({
      %run_scoped3A = tpu.sem_alloc : memref<!tpu.dma_semaphore, #tpu.memory_space<semaphore_mem>>
      %dma_start3A_194 = tpu.memref_slice %arg7[%add3A_193] : memref<16384xf32, #tpu.memory_space<hbm>> -> memref<512xf32, #tpu.memory_space<hbm>>
      %dma_start3A_195 = tpu.memref_slice %arg7[%add3A_193] : memref<16384xf32, #tpu.memory_space<hbm>> -> memref<512xf32, #tpu.memory_space<hbm>>
      tpu.enqueue_dma source(%arg20 : memref<512xf32, #tpu.memory_space<vmem>>) target(%dma_start3A_195 : memref<512xf32, #tpu.memory_space<hbm>>) target_semaphore(%run_scoped3A : memref<!tpu.dma_semaphore, #tpu.memory_space<semaphore_mem>>)
      %dma_wait3A_196 = tpu.memref_slice %arg7[%add3A_193] : memref<16384xf32, #tpu.memory_space<hbm>> -> memref<512xf32, #tpu.memory_space<hbm>>
      %dma_wait3A_197 = tpu.memref_slice %arg7[%add3A_193] : memref<16384xf32, #tpu.memory_space<hbm>> -> memref<512xf32, #tpu.memory_space<hbm>>
      tpu.wait_dma2 semaphore(%run_scoped3A : memref<!tpu.dma_semaphore, #tpu.memory_space<semaphore_mem>>) src(%arg20 : memref<512xf32, #tpu.memory_space<vmem>>) dst(%dma_wait3A_197 : memref<512xf32, #tpu.memory_space<hbm>>)
      tpu.yield
    }) : () -> ()
    "tpu.region"() ({
      %run_scoped3A = tpu.sem_alloc : memref<!tpu.dma_semaphore, #tpu.memory_space<semaphore_mem>>
      %dma_start3A_194 = tpu.memref_slice %arg8[%add3A_193] : memref<16384xf32, #tpu.memory_space<hbm>> -> memref<512xf32, #tpu.memory_space<hbm>>
      %dma_start3A_195 = tpu.memref_slice %arg8[%add3A_193] : memref<16384xf32, #tpu.memory_space<hbm>> -> memref<512xf32, #tpu.memory_space<hbm>>
      tpu.enqueue_dma source(%arg21 : memref<512xf32, #tpu.memory_space<vmem>>) target(%dma_start3A_195 : memref<512xf32, #tpu.memory_space<hbm>>) target_semaphore(%run_scoped3A : memref<!tpu.dma_semaphore, #tpu.memory_space<semaphore_mem>>)
      %dma_wait3A_196 = tpu.memref_slice %arg8[%add3A_193] : memref<16384xf32, #tpu.memory_space<hbm>> -> memref<512xf32, #tpu.memory_space<hbm>>
      %dma_wait3A_197 = tpu.memref_slice %arg8[%add3A_193] : memref<16384xf32, #tpu.memory_space<hbm>> -> memref<512xf32, #tpu.memory_space<hbm>>
      tpu.wait_dma2 semaphore(%run_scoped3A : memref<!tpu.dma_semaphore, #tpu.memory_space<semaphore_mem>>) src(%arg21 : memref<512xf32, #tpu.memory_space<vmem>>) dst(%dma_wait3A_197 : memref<512xf32, #tpu.memory_space<hbm>>)
      tpu.yield
    }) : () -> ()
    "tpu.region"() ({
      %run_scoped3A = tpu.sem_alloc : memref<!tpu.dma_semaphore, #tpu.memory_space<semaphore_mem>>
      %dma_start3A_194 = tpu.memref_slice %arg9[%add3A_193] : memref<16384xi32, #tpu.memory_space<hbm>> -> memref<512xi32, #tpu.memory_space<hbm>>
      %dma_start3A_195 = tpu.memref_slice %arg9[%add3A_193] : memref<16384xi32, #tpu.memory_space<hbm>> -> memref<512xi32, #tpu.memory_space<hbm>>
      tpu.enqueue_dma source(%arg22 : memref<512xi32, #tpu.memory_space<vmem>>) target(%dma_start3A_195 : memref<512xi32, #tpu.memory_space<hbm>>) target_semaphore(%run_scoped3A : memref<!tpu.dma_semaphore, #tpu.memory_space<semaphore_mem>>)
      %dma_wait3A_196 = tpu.memref_slice %arg9[%add3A_193] : memref<16384xi32, #tpu.memory_space<hbm>> -> memref<512xi32, #tpu.memory_space<hbm>>
      %dma_wait3A_197 = tpu.memref_slice %arg9[%add3A_193] : memref<16384xi32, #tpu.memory_space<hbm>> -> memref<512xi32, #tpu.memory_space<hbm>>
      tpu.wait_dma2 semaphore(%run_scoped3A : memref<!tpu.dma_semaphore, #tpu.memory_space<semaphore_mem>>) src(%arg22 : memref<512xi32, #tpu.memory_space<vmem>>) dst(%dma_wait3A_197 : memref<512xi32, #tpu.memory_space<hbm>>)
      tpu.yield
    }) : () -> ()
    return
  }
}

module attributes {stable_mosaic.version = 14 : i64} {
  func.func @_tc_body(%arg0: i32, %arg1: memref<1024x128xf32, #tpu.memory_space<vmem>>, %arg2: memref<1024x128xf32, #tpu.memory_space<vmem>>, %arg3: memref<1024x64xf32, #tpu.memory_space<vmem>>, %arg4: memref<1024x128xf32, #tpu.memory_space<vmem>>, %arg5: memref<1024x4xf32, #tpu.memory_space<vmem>>, %arg6: memref<128x384xf32, #tpu.memory_space<vmem>>, %arg7: memref<128x384xf32, #tpu.memory_space<vmem>>, %arg8: memref<64x384xf32, #tpu.memory_space<vmem>>, %arg9: memref<128x384xf32, #tpu.memory_space<vmem>>, %arg10: memref<128x384xf32, #tpu.memory_space<vmem>>, %arg11: memref<4x384xf32, #tpu.memory_space<vmem>>, %arg12: memref<1x128xf32, #tpu.memory_space<vmem>>, %arg13: memref<1x128xf32, #tpu.memory_space<vmem>>, %arg14: memref<1x384xf32, #tpu.memory_space<vmem>>, %arg15: memref<1x384xf32, #tpu.memory_space<vmem>>, %arg16: memref<1024x128xf32, #tpu.memory_space<vmem>>) attributes {dimension_semantics = [#tpu.dimension_semantics<arbitrary>], iteration_bounds = array<i64: 4>, scalar_prefetch = 0 : i64, scratch_operands = 0 : i64, tpu.core_type = #tpu.core_type<tc>, window_params = [{transform_indices = @transform_0, window_bounds = array<i64: 1024, 128>}, {transform_indices = @transform_1, window_bounds = array<i64: 1024, 128>}, {transform_indices = @transform_2, window_bounds = array<i64: 1024, 64>}, {transform_indices = @transform_3, window_bounds = array<i64: 1024, 128>}, {transform_indices = @transform_4, window_bounds = array<i64: 1024, 4>}, {pipeline_mode = #tpu.pipeline_mode<synchronous>, transform_indices = @transform_5, window_bounds = array<i64: 128, 384>}, {pipeline_mode = #tpu.pipeline_mode<synchronous>, transform_indices = @transform_6, window_bounds = array<i64: 128, 384>}, {pipeline_mode = #tpu.pipeline_mode<synchronous>, transform_indices = @transform_7, window_bounds = array<i64: 64, 384>}, {pipeline_mode = #tpu.pipeline_mode<synchronous>, transform_indices = @transform_8, window_bounds = array<i64: 128, 384>}, {pipeline_mode = #tpu.pipeline_mode<synchronous>, transform_indices = @transform_9, window_bounds = array<i64: 128, 384>}, {pipeline_mode = #tpu.pipeline_mode<synchronous>, transform_indices = @transform_10, window_bounds = array<i64: 4, 384>}, {pipeline_mode = #tpu.pipeline_mode<synchronous>, transform_indices = @transform_11, window_bounds = array<i64: 1, 128>}, {pipeline_mode = #tpu.pipeline_mode<synchronous>, transform_indices = @transform_12, window_bounds = array<i64: 1, 128>}, {pipeline_mode = #tpu.pipeline_mode<synchronous>, transform_indices = @transform_13, window_bounds = array<i64: 1, 384>}, {pipeline_mode = #tpu.pipeline_mode<synchronous>, transform_indices = @transform_14, window_bounds = array<i64: 1, 384>}, {transform_indices = @transform_15, window_bounds = array<i64: 1024, 128>}]} {
    %get3A = arith.constant 0 : index
    %get3A_0 = arith.constant 0 : index
    %get3A_1 = vector.load %arg1[%get3A, %get3A_0] : memref<1024x128xf32, #tpu.memory_space<vmem>>, vector<1024x128xf32>
    %get3A_2 = arith.constant 0 : index
    %get3A_3 = arith.constant 0 : index
    %get3A_4 = vector.load %arg2[%get3A_2, %get3A_3] : memref<1024x128xf32, #tpu.memory_space<vmem>>, vector<1024x128xf32>
    %get3A_5 = arith.constant 0 : index
    %get3A_6 = arith.constant 0 : index
    %get3A_7 = vector.load %arg3[%get3A_5, %get3A_6] : memref<1024x64xf32, #tpu.memory_space<vmem>>, vector<1024x64xf32>
    %get3A_8 = arith.constant 0 : index
    %get3A_9 = arith.constant 0 : index
    %get3A_10 = vector.load %arg5[%get3A_8, %get3A_9] : memref<1024x4xf32, #tpu.memory_space<vmem>>, vector<1024x4xf32>
    %get3A_11 = arith.constant 0 : index
    %get3A_12 = arith.constant 0 : index
    %get3A_13 = vector.load %arg11[%get3A_11, %get3A_12] : memref<4x384xf32, #tpu.memory_space<vmem>>, vector<4x384xf32>
    %dot_general3A = arith.constant dense<0.000000e+00> : vector<1024x384xf32>
    %dot_general3A_14 = tpu.matmul %get3A_10, %get3A_13, %dot_general3A {dimension_numbers = #tpu.dot_dimension_numbers<[1], [0], [0], [1], [0, 0, 1, 1], [], []>, transpose_lhs_hint = false} : vector<1024x4xf32>, vector<4x384xf32>, vector<1024x384xf32> -> vector<1024x384xf32>
    %get3A_15 = arith.constant 0 : index
    %get3A_16 = arith.constant 0 : index
    %get3A_17 = vector.load %arg4[%get3A_15, %get3A_16] : memref<1024x128xf32, #tpu.memory_space<vmem>>, vector<1024x128xf32>
    %get3A_18 = arith.constant 0 : index
    %get3A_19 = arith.constant 0 : index
    %get3A_20 = vector.load %arg12[%get3A_18, %get3A_19] : memref<1x128xf32, #tpu.memory_space<vmem>>, vector<1x128xf32>
    %mul3A = vector.broadcast %get3A_20 : vector<1x128xf32> to vector<1024x128xf32>
    %mul3A_21 = arith.mulf %get3A_17, %mul3A : vector<1024x128xf32>
    %get3A_22 = arith.constant 0 : index
    %get3A_23 = arith.constant 0 : index
    %get3A_24 = vector.load %arg13[%get3A_22, %get3A_23] : memref<1x128xf32, #tpu.memory_space<vmem>>, vector<1x128xf32>
    %add3A = vector.broadcast %get3A_24 : vector<1x128xf32> to vector<1024x128xf32>
    %add3A_25 = arith.addf %mul3A_21, %add3A : vector<1024x128xf32>
    %cos3A = math.cos %add3A_25 : vector<1024x128xf32>
    %get3A_26 = arith.constant 0 : index
    %get3A_27 = arith.constant 0 : index
    %get3A_28 = vector.load %arg6[%get3A_26, %get3A_27] : memref<128x384xf32, #tpu.memory_space<vmem>>, vector<128x384xf32>
    %dot_general3A_29 = arith.constant dense<0.000000e+00> : vector<1024x384xf32>
    %dot_general3A_30 = tpu.matmul %get3A_1, %get3A_28, %dot_general3A_29 {dimension_numbers = #tpu.dot_dimension_numbers<[1], [0], [0], [1], [0, 0, 1, 1], [], []>, transpose_lhs_hint = false} : vector<1024x128xf32>, vector<128x384xf32>, vector<1024x384xf32> -> vector<1024x384xf32>
    %get3A_31 = arith.constant 0 : index
    %get3A_32 = arith.constant 0 : index
    %get3A_33 = vector.load %arg7[%get3A_31, %get3A_32] : memref<128x384xf32, #tpu.memory_space<vmem>>, vector<128x384xf32>
    %dot_general3A_34 = arith.constant dense<0.000000e+00> : vector<1024x384xf32>
    %dot_general3A_35 = tpu.matmul %get3A_4, %get3A_33, %dot_general3A_34 {dimension_numbers = #tpu.dot_dimension_numbers<[1], [0], [0], [1], [0, 0, 1, 1], [], []>, transpose_lhs_hint = false} : vector<1024x128xf32>, vector<128x384xf32>, vector<1024x384xf32> -> vector<1024x384xf32>
    %add3A_36 = arith.addf %dot_general3A_30, %dot_general3A_35 : vector<1024x384xf32>
    %get3A_37 = arith.constant 0 : index
    %get3A_38 = arith.constant 0 : index
    %get3A_39 = vector.load %arg8[%get3A_37, %get3A_38] : memref<64x384xf32, #tpu.memory_space<vmem>>, vector<64x384xf32>
    %dot_general3A_40 = arith.constant dense<0.000000e+00> : vector<1024x384xf32>
    %dot_general3A_41 = tpu.matmul %get3A_7, %get3A_39, %dot_general3A_40 {dimension_numbers = #tpu.dot_dimension_numbers<[1], [0], [0], [1], [0, 0, 1, 1], [], []>, transpose_lhs_hint = false} : vector<1024x64xf32>, vector<64x384xf32>, vector<1024x384xf32> -> vector<1024x384xf32>
    %add3A_42 = arith.addf %add3A_36, %dot_general3A_41 : vector<1024x384xf32>
    %get3A_43 = arith.constant 0 : index
    %get3A_44 = arith.constant 0 : index
    %get3A_45 = vector.load %arg9[%get3A_43, %get3A_44] : memref<128x384xf32, #tpu.memory_space<vmem>>, vector<128x384xf32>
    %dot_general3A_46 = arith.constant dense<0.000000e+00> : vector<1024x384xf32>
    %dot_general3A_47 = tpu.matmul %cos3A, %get3A_45, %dot_general3A_46 {dimension_numbers = #tpu.dot_dimension_numbers<[1], [0], [0], [1], [0, 0, 1, 1], [], []>, transpose_lhs_hint = false} : vector<1024x128xf32>, vector<128x384xf32>, vector<1024x384xf32> -> vector<1024x384xf32>
    %add3A_48 = arith.addf %add3A_42, %dot_general3A_47 : vector<1024x384xf32>
    %mul3A_49 = arith.mulf %dot_general3A_14, %add3A_48 : vector<1024x384xf32>
    %get3A_50 = arith.constant 0 : index
    %get3A_51 = arith.constant 0 : index
    %get3A_52 = vector.load %arg14[%get3A_50, %get3A_51] : memref<1x384xf32, #tpu.memory_space<vmem>>, vector<1x384xf32>
    %add3A_53 = vector.broadcast %get3A_52 : vector<1x384xf32> to vector<1024x384xf32>
    %add3A_54 = arith.addf %mul3A_49, %add3A_53 : vector<1024x384xf32>
    %get3A_55 = arith.constant 0 : index
    %get3A_56 = arith.constant 0 : index
    %get3A_57 = vector.load %arg10[%get3A_55, %get3A_56] : memref<128x384xf32, #tpu.memory_space<vmem>>, vector<128x384xf32>
    %dot_general3A_58 = arith.constant dense<0.000000e+00> : vector<1024x384xf32>
    %dot_general3A_59 = tpu.matmul %get3A_1, %get3A_57, %dot_general3A_58 {dimension_numbers = #tpu.dot_dimension_numbers<[1], [0], [0], [1], [0, 0, 1, 1], [], []>, transpose_lhs_hint = false} : vector<1024x128xf32>, vector<128x384xf32>, vector<1024x384xf32> -> vector<1024x384xf32>
    %get3A_60 = arith.constant 0 : index
    %get3A_61 = arith.constant 0 : index
    %get3A_62 = vector.load %arg15[%get3A_60, %get3A_61] : memref<1x384xf32, #tpu.memory_space<vmem>>, vector<1x384xf32>
    %add3A_63 = vector.broadcast %get3A_62 : vector<1x384xf32> to vector<1024x384xf32>
    %add3A_64 = arith.addf %dot_general3A_59, %add3A_63 : vector<1024x384xf32>
    %slice3A = vector.extract_strided_slice %add3A_54 {offsets = [0, 0], sizes = [1024, 128], strides = [1, 1]} : vector<1024x384xf32> to vector<1024x128xf32>
    %slice3A_65 = vector.extract_strided_slice %add3A_54 {offsets = [0, 128], sizes = [1024, 128], strides = [1, 1]} : vector<1024x384xf32> to vector<1024x128xf32>
    %slice3A_66 = vector.extract_strided_slice %add3A_54 {offsets = [0, 256], sizes = [1024, 128], strides = [1, 1]} : vector<1024x384xf32> to vector<1024x128xf32>
    %slice3A_67 = vector.extract_strided_slice %add3A_64 {offsets = [0, 0], sizes = [1024, 128], strides = [1, 1]} : vector<1024x384xf32> to vector<1024x128xf32>
    %slice3A_68 = vector.extract_strided_slice %add3A_64 {offsets = [0, 128], sizes = [1024, 128], strides = [1, 1]} : vector<1024x384xf32> to vector<1024x128xf32>
    %slice3A_69 = vector.extract_strided_slice %add3A_64 {offsets = [0, 256], sizes = [1024, 128], strides = [1, 1]} : vector<1024x384xf32> to vector<1024x128xf32>
    %add3A_70 = arith.addf %slice3A, %slice3A_67 : vector<1024x128xf32>
    %logistic3A = arith.negf %add3A_70 : vector<1024x128xf32>
    %logistic3A_71 = math.exp %logistic3A : vector<1024x128xf32>
    %logistic3A_72 = arith.constant 1.000000e+00 : f32
    %logistic3A_73 = vector.broadcast %logistic3A_72 : f32 to vector<1024x128xf32>
    %logistic3A_74 = arith.addf %logistic3A_73, %logistic3A_71 : vector<1024x128xf32>
    %logistic3A_75 = arith.divf %logistic3A_73, %logistic3A_74 : vector<1024x128xf32>
    %add3A_76 = arith.addf %slice3A_65, %slice3A_68 : vector<1024x128xf32>
    %logistic3A_77 = arith.negf %add3A_76 : vector<1024x128xf32>
    %logistic3A_78 = math.exp %logistic3A_77 : vector<1024x128xf32>
    %logistic3A_79 = arith.constant 1.000000e+00 : f32
    %logistic3A_80 = vector.broadcast %logistic3A_79 : f32 to vector<1024x128xf32>
    %logistic3A_81 = arith.addf %logistic3A_80, %logistic3A_78 : vector<1024x128xf32>
    %logistic3A_82 = arith.divf %logistic3A_80, %logistic3A_81 : vector<1024x128xf32>
    %mul3A_83 = arith.mulf %logistic3A_75, %slice3A_69 : vector<1024x128xf32>
    %add3A_84 = arith.addf %slice3A_66, %mul3A_83 : vector<1024x128xf32>
    %tanh3A = math.tanh %add3A_84 : vector<1024x128xf32>
    %sub3A = arith.constant 1.000000e+00 : f32
    %sub3A_85 = vector.broadcast %sub3A : f32 to vector<1024x128xf32>
    %sub3A_86 = arith.subf %sub3A_85, %logistic3A_82 : vector<1024x128xf32>
    %mul3A_87 = arith.mulf %sub3A_86, %tanh3A : vector<1024x128xf32>
    %mul3A_88 = arith.mulf %logistic3A_82, %get3A_1 : vector<1024x128xf32>
    %add3A_89 = arith.addf %mul3A_87, %mul3A_88 : vector<1024x128xf32>
    %swap3A = arith.constant 0 : index
    %swap3A_90 = arith.constant 0 : index
    %swap3A_91 = vector.load %arg16[%swap3A, %swap3A_90] : memref<1024x128xf32, #tpu.memory_space<vmem>>, vector<1024x128xf32>
    tpu.vector_store %arg16[%swap3A, %swap3A_90], %add3A_89 {strides = array<i32>} : memref<1024x128xf32, #tpu.memory_space<vmem>>, vector<1024x128xf32>,
    return
  }
  func.func @transform_0(%arg0: i32) -> (i32, i32) {
    %c0_i32 = arith.constant 0 : i32
    %c0_i32_0 = arith.constant 0 : i32
    return %arg0, %c0_i32 : i32, i32
  }
  func.func @transform_1(%arg0: i32) -> (i32, i32) {
    %c0_i32 = arith.constant 0 : i32
    %c0_i32_0 = arith.constant 0 : i32
    return %arg0, %c0_i32 : i32, i32
  }
  func.func @transform_2(%arg0: i32) -> (i32, i32) {
    %c0_i32 = arith.constant 0 : i32
    %c0_i32_0 = arith.constant 0 : i32
    return %arg0, %c0_i32 : i32, i32
  }
  func.func @transform_3(%arg0: i32) -> (i32, i32) {
    %c0_i32 = arith.constant 0 : i32
    %c0_i32_0 = arith.constant 0 : i32
    return %arg0, %c0_i32 : i32, i32
  }
  func.func @transform_4(%arg0: i32) -> (i32, i32) {
    %c0_i32 = arith.constant 0 : i32
    %c0_i32_0 = arith.constant 0 : i32
    return %arg0, %c0_i32 : i32, i32
  }
  func.func @transform_5(%arg0: i32) -> (i32, i32) {
    %c0_i32 = arith.constant 0 : i32
    %c0_i32_0 = arith.constant 0 : i32
    %c0_i32_1 = arith.constant 0 : i32
    return %c0_i32, %c0_i32_0 : i32, i32
  }
  func.func @transform_6(%arg0: i32) -> (i32, i32) {
    %c0_i32 = arith.constant 0 : i32
    %c0_i32_0 = arith.constant 0 : i32
    %c0_i32_1 = arith.constant 0 : i32
    return %c0_i32, %c0_i32_0 : i32, i32
  }
  func.func @transform_7(%arg0: i32) -> (i32, i32) {
    %c0_i32 = arith.constant 0 : i32
    %c0_i32_0 = arith.constant 0 : i32
    %c0_i32_1 = arith.constant 0 : i32
    return %c0_i32, %c0_i32_0 : i32, i32
  }
  func.func @transform_8(%arg0: i32) -> (i32, i32) {
    %c0_i32 = arith.constant 0 : i32
    %c0_i32_0 = arith.constant 0 : i32
    %c0_i32_1 = arith.constant 0 : i32
    return %c0_i32, %c0_i32_0 : i32, i32
  }
  func.func @transform_9(%arg0: i32) -> (i32, i32) {
    %c0_i32 = arith.constant 0 : i32
    %c0_i32_0 = arith.constant 0 : i32
    %c0_i32_1 = arith.constant 0 : i32
    return %c0_i32, %c0_i32_0 : i32, i32
  }
  func.func @transform_10(%arg0: i32) -> (i32, i32) {
    %c0_i32 = arith.constant 0 : i32
    %c0_i32_0 = arith.constant 0 : i32
    %c0_i32_1 = arith.constant 0 : i32
    return %c0_i32, %c0_i32_0 : i32, i32
  }
  func.func @transform_11(%arg0: i32) -> (i32, i32) {
    %c0_i32 = arith.constant 0 : i32
    %c0_i32_0 = arith.constant 0 : i32
    %c0_i32_1 = arith.constant 0 : i32
    return %c0_i32, %c0_i32_0 : i32, i32
  }
  func.func @transform_12(%arg0: i32) -> (i32, i32) {
    %c0_i32 = arith.constant 0 : i32
    %c0_i32_0 = arith.constant 0 : i32
    %c0_i32_1 = arith.constant 0 : i32
    return %c0_i32, %c0_i32_0 : i32, i32
  }
  func.func @transform_13(%arg0: i32) -> (i32, i32) {
    %c0_i32 = arith.constant 0 : i32
    %c0_i32_0 = arith.constant 0 : i32
    %c0_i32_1 = arith.constant 0 : i32
    return %c0_i32, %c0_i32_0 : i32, i32
  }
  func.func @transform_14(%arg0: i32) -> (i32, i32) {
    %c0_i32 = arith.constant 0 : i32
    %c0_i32_0 = arith.constant 0 : i32
    %c0_i32_1 = arith.constant 0 : i32
    return %c0_i32, %c0_i32_0 : i32, i32
  }
  func.func @transform_15(%arg0: i32) -> (i32, i32) {
    %c0_i32 = arith.constant 0 : i32
    %c0_i32_0 = arith.constant 0 : i32
    return %arg0, %c0_i32 : i32, i32
  }
}

</mosaic_0001>

<sc_bundles>
// kernel: kernel.4.cloned.1.call-start
scs
__scs_entry_jumppad:
0x0: {  	(pc) =	sbr.rel $0x88, $3  }
0x1: {  	(tag) =	ssettag $0x0;
	lr =	simm.s32 $0x1  }
0x2: {  	[smem:$0x3F96] =	sst lr;
	_ =	strace $0xD0000000  }
0x3: {  	_ = 	snop  }
0x4: {  	_ = 	snop  }
0x5: {  	_ = 	snop  }
0x6: {  	_ = 	snop  }
0x7: {  	_ = 	snop  }
__scs_overlays_trampoline_lowered:
0x8: {  	[smem:$0x3FA5] =	sst s0  }
0x9: {  	[smem:$0x3FA6] =	sst s1  }
0xa: {  	[smem:$0x3FA7] =	sst s2  }
0xb: {  	[smem:$0x3FA8] =	sst s3  }
0xc: {  	[smem:$0x3FA9] =	sst s4  }
0xd: {  	[smem:$0x3FAA] =	sst s5  }
0xe: {  	[smem:$0x3FAB] =	sst s6  }
0xf: {  	[smem:$0x3FAC] =	sst s7  }
0x10: {  	[smem:$0x3FAD] =	sst s8  }
0x11: {  	[smem:$0x3FAE] =	sst s9;
	s0 =	simm.s32 @!p0 $0x0  }
0x12: {  	s1 =	sld [smem:$0x3F94];
	s0 =	simm.s32 @p0 $0x1  }
0x13: {  	[smem:$0x3FAF] =	sst s0;
	s0 =	simm.s32 @!p1 $0x0  }
0x14: {  	s2 =	sld [smem:$0x3F93];
	s0 =	simm.s32 @p1 $0x1  }
0x15: {  	[smem:$0x3FB0] =	sst s0;
	s0 =	simm.s32 @!p2 $0x0  }
0x16: {  	s3 =	sld [smem:$0x3FDB];
	s0 =	simm.s32 @p2 $0x1  }
0x17: {  	s4 =	simm.s32 $0x1BF5;
	[smem:$0x3FB2] =	sst s0  }
0x18: {  	s0 =	sld [smem:$0x3F95];
	_ =	swait.ge [sflag:s4], $0x0  }
0x19: {  	s7 =	sld [smem:$0x3F96]  }
0x1a: {  	s8 =	sadd.s32 $0xFFFFE003, lr  }
0x1b: {  	s9 =	sadd.s32 $0xFFFFFEF7, lr;
	s5 =	simm.s32 $0xFFFFFFFF;
	p2 =	slt.u32 s8, $0xFFFFF086  }
0x1c: {  	p1 =	slt.u32 s9, $0xF7A;
	s5 =	simm.s32 @!p2 $0x0  }
0x1d: {  	s5 =	simm.s32 @p1 $0x1;
	p0 =	seq.s32 s7, s2  }
0x1e: {  	s7 =	smul.u32 @!p0 $0xF7A, s2;
	p2 =	seq.s32 @!p0 s5, $0x0  }
0x1f: {  	s9 =	smul.u32 $0xF7A, s1;
	s8 =	simm.s32 @!p0 $0x1BF5;
	p2 =	por !p2, p0  }
0x20: {  	[sflag:s8] =	ssyncset.s32 @!p0 $0xFFFFF086;
	s6 =	sadd.s32 @!p0 s3, s7;
	s7 =	simm.s32 @!p0 $0x108  }
0x21: {  	s3 =	sadd.s32 s3, s9;
	s6 =	sadd.s32 @!p0 $0x88, s6;
	s7 =	simm.s32 @p2 $0x1082  }
0x22: {  	[simem:s7], [sflag:s8] =	dma.local @!p0 [hbm:s6], $0xF7A  }
0x23: {  	s9 =	sor.u32 $0xD0000000, s2;
	s6 =	simm.s32 $0x108;
	_ =	swait.ge @!p0 [sflag:s8], $0x0  }
0x24: {  	s3 =	sadd.s32 $0x88, s3;
	s6 =	simm.s32 @!p1 $0x1082;
	[sflag:s4] =	ssyncset.s32 $0xFFFFF086  }
0x25: {  	[simem:s6], [sflag:s4] =	dma.local [hbm:s3], $0xF7A  }
0x26: {  	[smem:$0x3F96] =	sst s1;
	(tag) =	ssettag s2;
	_ =	strace s9  }
0x27: {  	s1 =	sld [smem:$0x3FA6]  }
0x28: {  	s2 =	sld [smem:$0x3FA7]  }
0x29: {  	s4 =	sld [smem:$0x3FA9]  }
0x2a: {  	p0 =	seq.s32 s5, $0x0;
	s5 =	sld [smem:$0x3FAA]  }
0x2b: {  	s6 =	sld [smem:$0x3FAB]  }
0x2c: {  	s7 =	sld [smem:$0x3FAC]  }
0x2d: {  	s3 =	simm.s32 $0x108;
	s8 =	sld [smem:$0x3FAD]  }
0x2e: {  	s3 =	simm.s32 @!p0 $0x1082;
	s9 =	sld [smem:$0x3FAE]  }
0x2f: {  	lr =	sadd.s32 s0, s3;
	s0 =	sld [smem:$0x3FA5]  }
0x30: {  	s3 =	sld [smem:$0x3FA8]  }
0x31: {  	[smem:$0x3FB1] =	sst s10  }
0x32: {  	s10 =	sld [smem:$0x3FAF];
	_ =	sdelay $0x3  }
0x33: {  	p0 =	seq.s32 s10, $0x1;
	s10 =	sld [smem:$0x3FB1];
	_ =	sdelay $0x3  }
0x34: {  	[smem:$0x3FB1] =	sst s10  }
0x35: {  	s10 =	sld [smem:$0x3FB0];
	_ =	sdelay $0x3  }
0x36: {  	p1 =	seq.s32 s10, $0x1;
	s10 =	sld [smem:$0x3FB1];
	_ =	sdelay $0x3  }
0x37: {  	[smem:$0x3FB1] =	sst s10  }
0x38: {  	s10 =	sld [smem:$0x3FB2]  }
0x39: {  	_ = 	snop;
	(pc) =	sbr.ind lr, $3  }
0x3a: {  	_ = 	snop  }
0x3b: {  	_ = 	snop  }
0x3c: {  	p2 =	seq.s32 s10, $0x1;
	s10 =	sld [smem:$0x3FB1]  }
0x3d: {  	_ =	shalt  }
0x3e: {  	_ =	shalt  }
0x3f: {  	_ =	shalt  }
0x40: {  	_ =	shalt  }
0x41: {  	_ =	shalt  }
0x42: {  	_ =	shalt  }
0x43: {  	_ =	shalt  }
0x44: {  	_ =	shalt  }
0x45: {  	_ =	shalt  }
0x46: {  	_ =	shalt  }
0x47: {  	_ =	shalt  }
0x48: {  	_ =	shalt  }
0x49: {  	_ =	shalt  }
0x4a: {  	_ =	shalt  }
0x4b: {  	_ =	shalt  }
0x4c: {  	_ =	shalt  }
0x4d: {  	_ =	shalt  }
0x4e: {  	_ =	shalt  }
0x4f: {  	_ =	shalt  }
0x50: {  	_ =	shalt  }
0x51: {  	_ =	shalt  }
0x52: {  	_ =	shalt  }
0x53: {  	_ =	shalt  }
0x54: {  	_ =	shalt  }
0x55: {  	_ =	shalt  }
0x56: {  	_ =	shalt  }
0x57: {  	_ =	shalt  }
0x58: {  	_ =	shalt  }
0x59: {  	_ =	shalt  }
0x5a: {  	_ =	shalt  }
0x5b: {  	_ =	shalt  }
0x5c: {  	_ =	shalt  }
0x5d: {  	_ =	shalt  }
0x5e: {  	_ =	shalt  }
0x5f: {  	_ =	shalt  }
0x60: {  	_ =	shalt  }
0x61: {  	_ =	shalt  }
0x62: {  	_ =	shalt  }
0x63: {  	_ =	shalt  }
0x64: {  	_ =	shalt  }
0x65: {  	_ =	shalt  }
0x66: {  	_ =	shalt  }
0x67: {  	_ =	shalt  }
0x68: {  	_ =	shalt  }
0x69: {  	_ =	shalt  }
0x6a: {  	_ =	shalt  }
0x6b: {  	_ =	shalt  }
0x6c: {  	_ =	shalt  }
0x6d: {  	_ =	shalt  }
0x6e: {  	_ =	shalt  }
0x6f: {  	_ =	shalt  }
0x70: {  	_ =	shalt  }
0x71: {  	_ =	shalt  }
0x72: {  	_ =	shalt  }
0x73: {  	_ =	shalt  }
0x74: {  	_ =	shalt  }
0x75: {  	_ =	shalt  }
0x76: {  	_ =	shalt  }
0x77: {  	_ =	shalt  }
0x78: {  	_ =	shalt  }
0x79: {  	_ =	shalt  }
0x7a: {  	_ =	shalt  }
0x7b: {  	_ =	shalt  }
0x7c: {  	_ =	shalt  }
0x7d: {  	_ =	shalt  }
0x7e: {  	_ =	shalt  }
0x7f: {  	_ =	shalt  }
0x80: {  	_ =	shalt  }
0x81: {  	_ =	shalt  }
0x82: {  	_ =	shalt  }
0x83: {  	_ =	shalt  }
0x84: {  	_ =	shalt  }
0x85: {  	_ =	shalt  }
0x86: {  	_ =	shalt  }
0x87: {  	_ =	shalt  }
.Lfunc_end0:
.L_simem_size_0:
called_computation_lowered:
.L_overlay_start_0:
0x88: {  	s2 =	sld [smem:$0x3FD9]  }
0x89: {  	s3 =	sld [smem:$0x3FFE];
	_ =	sdelay $0x1  }
0x8a: {  	s1 =	srdreg.scid  }
0x8b: {  	s0 =	sand.u32 $0x1, s1  }
0x8c: {  	s14 =	sshll.u32 s0, $0xA;
	s2 =	sadd.s32 s3, s2  }
0x8d: {  	s2 =	sadd.s32 s2, s14  }
0x8e: {  	[smem:$0x3FBD] =	sst s2  }
0x8f: {  	_ = 	snop  }
0x90: {  	s2 =	sld [smem:$0x3FD0];
	_ =	sdelay $0x2  }
0x91: {  	s15 =	simm.s32 $0xA;
	s4 =	simm.s32 $0x10  }
0x92: {  	[smem:s4], [sflag:s15] =	dma.local [hbm:s2], $0x1  }
0x93: {  	_ =	swait.eq [sflag:s15], $0x1  }
0x94: {  	[sflag:s15] =	ssyncset.done $0x0  }
0x95: {  	s16 =	sld [smem:$0x10];
	[sflag:s15] =	ssyncadd.s32 $0xFFFFFFFF  }
0x96: {  	s17 =	sld [smem:$0x11];
	(tm) =	ssettm $0x1  }
0x97: {  	s18 =	sld [smem:$0x3FFB];
	_ =	sdelay $0x3  }
0x98: {  	_ =	strace s18  }
0x99: {  	s4 =	sld [smem:$0x3FFC];
	_ =	sdelay $0x3  }
0x9a: {  	_ =	strace s4  }
0x9b: {  	s4 =	sld [smem:$0x3FFD];
	_ =	sdelay $0x3  }
0x9c: {  	_ =	strace s4  }
0x9d: {  	_ =	strace $0x8FFFFFFF  }
0x9e: {  	s19 =	sld [smem:$0x3FDB];
	_ =	sdelay $0x1  }
0x9f: {  	s5 =	simm.s32 $_scs_section_size  }
0xa0: {  	s6 =	simm.s32 $_size__tile_overlayer_lowered;
	s7 =	simm.s32 $_tile_overlayer_lowered  }
0xa1: {  	s22 =	simm.s32 $0x1BFF;
	s21 =	sshll.u32 s7, $0x1;
	s4 =	sadd.s32 s5, s19  }
0xa2: {  	s8 =	simm.s32 $0x0;
	s20 =	sshll.u32 s6, $0x1;
	s6 =	sadd.s32 s21, s4  }
0xa3: {  	[timem:s8], [sflag:s22] =	dma.local [hbm:s6], s20  }
0xa4: {  	_ =	swait.ge [sflag:s22], s20  }
0xa5: {  	s5 =	ssub.s32 $0x0, s20;
	[sflag:s22] =	ssyncset.done $0x0  }
0xa6: {  	[sflag:s22] =	ssyncadd.s32 s5;
	_ =	sdelay $0x1  }
0xa7: {  	s23 =	simm.s32 $0x1B8B  }
0xa8: {  	_ =	swait.ge [sflag:s23], $0x1  }
0xa9: {  	[sflag:s23] =	ssyncset.done $0x0  }
0xaa: {  	s25 =	simm.s32 $0x1B8E;
	s24 =	sld [smem:$0x3FFE];
	[sflag:s23] =	ssyncadd.s32 $0xFFFFFFFF  }
0xab: {  	s26 =	simm.s32 $execute0_lowered;
	[smem:$0x3FD2] =	sst s25  }
0xac: {  	s6 =	sshll.u32 s26, $0x1;
	_ =	strace $0x80000046;
	[dreg:$0x1] =	wrdreg $0xFFFFFFFF  }
0xad: {  	s28 =	simm.s32 $_size_execute0_lowered;
	s4 =	sadd.s32 s4, s6;
	[dreg:$0x0] =	wrdreg $0x0  }
0xae: {  	s6 =	sshll.u32 s28, $0x1;
	[dreg:$0x2] =	wrdreg s4  }
0xaf: {  	[dreg:$0x3] =	wrdreg s6  }
0xb0: {  	[dreg:$0x4] =	wrdreg $0xC0  }
0xb1: {  	_ =	task [dreg:s8], $0x5FFFF  }
0xb2: {  	[dreg:$0x1] =	wrdreg $0xFFFFFFFF  }
0xb3: {  	[dreg:$0x0] =	wrdreg $0x60  }
0xb4: {  	[dreg:$0x2] =	wrdreg s24  }
0xb5: {  	[dreg:$0x3] =	wrdreg s16  }
0xb6: {  	[dreg:$0x4] =	wrdreg s17  }
0xb7: {  	[dreg:$0x5] =	wrdreg $0xDE000  }
0xb8: {  	[dreg:$0x6] =	wrdreg $0x11E000  }
0xb9: {  	[dreg:$0x7] =	wrdreg $0x20000  }
0xba: {  	[dreg:$0x8] =	wrdreg $0x9  }
0xbb: {  	_ =	task.clear_ibuf [dreg:s8], $0x9FFFF;
	_ =	strace $0x90000046  }
0xbc: {  	s29 =	simm.s32 $0x9;
	_ =	strace $0x80000048  }
0xbd: {  	_ =	swait.ge [sflag:s29], $0x1  }
0xbe: {  	[sflag:s29] =	ssyncadd.s32 $0xFFFFFFFF  }
0xbf: {  	_ =	strace $0x90000048  }
0xc0: {  	_ =	sfence  }
0xc1: {  	s30 =	sld [smem:$0x0];
	_ =	sdelay $0x2  }
0xc2: {  	s31 =	sshll.u32 s1, $0xD;
	s1 =	sshrl.u32 s1, $0x2  }
0xc3: {  	s3 =	sand.u32 $0x4000, s31;
	s1 =	sadd.s32 s1, s30  }
0xc4: {  	s0 =	sor.u32 s3, s0;
	s1 =	sshll.u32 s1, $0x11  }
0xc5: {  	s0 =	sor.u32 s1, s0  }
0xc6: {  	s0 =	sadd.s32 $0x8F2B, s0  }
0xc7: {  	[sflag:s0] =	ssyncadd.remote.s32 $0x1  }
0xc8: {  	_ =	sfence.sel $0xFFFF  }
0xc9: {  	[dreg:$0x0] =	wrdreg $0xFFFFFFFF;
	(pc) =	sbr.abs _section_cstart, $3  }
0xca: {  	[dreg:$0x1] =	wrdreg $0xFFFFFFFF  }
0xcb: {  	_ =	task.clear_ibuf [dreg:s8], $0x2FFFF;
	_ =	strace $0x9FFFFFFF  }
0xcc: {  	(tm) =	ssettm $0x7FFFFFFF  }
0xcd: {  	_ =	shalt  }
tec
execute0_lowered:
.L_overlay_start_1:
0x0: {  	(tag) =	ssettag $0x1  }
0x1: {  	s1 =	rddreg [dreg:$0x0]  }
0x2: {  	s2 =	rddreg [dreg:$0x1]  }
0x3: {  	s0 =	rddreg [dreg:$0x2]  }
0x4: {  	s16 =	rddreg [dreg:$0x3]  }
0x5: {  	s19 =	rddreg [dreg:$0x4]  }
0x6: {  	s3 =	rddreg [dreg:$0x5];
	s4 =	simm.s32 $0x0  }
0x7: {  	s18 =	stileid.u32;
	s6 =	srdreg.scid;
	s31 =	simm.s32 $0x9E00  }
0x8: {  	s30 =	simm.s32 $0x4;
	[smem:$0x7FF] =	sst s4;
	s5 =	sshll.u32 s18, $0xA  }
0x9: {  	s21 =	sand.u32 $0x1, s6;
	s8 =	sshll.u32 s18, $0x9;
	s9 =	sshll.u32 s18, $0xB  }
0xa: {  	s24 =	sshll.u32 s18, $0xC;
	s20 =	sshll.u32 s18, $0x6;
	_ =	strace $0x80000047  }
0xb: {  	s12 =	sand.u32 $0x3800, s5;
	s7 =	sshll.u32 s21, $0xD;
	s9 =	sadd.s32 s9, s1  }
0xc: {  	s5 =	ssub.s32 $0x2, s21;
	s25 =	sand.u32 $0x1000, s24;
	s21 =	sshll.u32 s18, $0xF  }
0xd: {  	s2 =	sadd.s32 s2, s24;
	s22 =	sshrl.u32 s12, $0x3;
	s10 =	sor.u32 s8, s7  }
0xe: {  	s23 =	sshrl.u32 s5, $0x1;
	s7 =	sor.u32 s7, s25;
	s9 =	sadd.s32 $0x3800, s9  }
0xf: {  	[dreg:$0xb] =	wrdreg s2;
	s2 =	simm.s32 $0x2;
	s6 =	sadd.s32 s22, s1  }
0x10: {  	v0 =	vimm.s32 $0xEDCBA987;
	v1 =	vimm.s32 $0x65432100;
	s11 =	sshll.u32 s10, $0x2;
	s13 =	sshll.u32 s10, $0x1;
	s15 =	sshrl.u32 s10, $0x3  }
0x11: {  	v4 =	vimm.s32 $0x54321000;
	v5 =	vimm.s32 $0xDCBA9876;
	v6 =	vimm.s32 $0xBA987654;
	s5 =	ssub.s32 s5, s23;
	s10 =	sadd.s32 $0x1000, s7;
	[dreg:$0xa] =	wrdreg s9  }
0x12: {  	v7 =	vimm.s32 $0xE40000;
	v8 =	vimm.s32 $0x32100000;
	v9 =	vimm.s32 $0x7060504;
	s22 =	sand.u32 $0x1000, s8;
	s8 =	sand.u32 $0xE00, s8;
	s23 =	sadd.s32 s24, s3  }
0x13: {  	vm0 =	vcmask $0x3F30;
	v0 =	vunpack.c.l.s4.s8 v0;
	v2 =	vunpack.c.l.s4.s8 v1;
	s9 =	simm.s32 $0x3800;
	s11 =	sadd.s32 s11, s1;
	s14 =	sadd.s32 s13, s1  }
0x14: {  	v5 =	vunpack.c.l.s4.s8 v5;
	v6 =	vunpack.c.l.s4.s8 v6;
	v7 =	vunpack.c.l.s2.s4 v7;
	s17 =	sadd.s32 s15, s1;
	s26 =	sadd.s32 $0xB800, s6;
	[dreg:$0xc] =	wrdreg s23  }
0x15: {  	v4 =	vunpack.c.l.s4.s8 v4;
	v8 =	vunpack.c.l.s4.s8 v8;
	v3 =	vunpack.c.0.s8.s32 v0;
	s6 =	sadd.s32 $0xC000, s6;
	s1 =	sadd.s32 $0xC800, s1;
	[dreg:$0x7] =	wrdreg s26  }
0x16: {  	v2 =	vunpack.c.0.s8.s32 v2;
	v0 =	vmov s7;
	v1 =	vmov s10;
	s10 =	sor.u32 $0x1C03, s20;
	s7 =	sadd.s32 s22, s3;
	[dreg:$0x8] =	wrdreg s6  }
0x17: {  	v5 =	vunpack.c.0.s8.s32 v5;
	v4 =	vunpack.c.0.s8.s32 v4;
	v3 =	vand.u32 $0xF, v3;
	s3 =	simm.s32 $0x3;
	[dreg:$0x9] =	wrdreg s1;
	s6 =	sshll.u32 s18, $0xE  }
0x18: {  	s13 =	sadd.s32 s8, s7;
	s24 =	sadd.s32 $0x16000, s11;
	s25 =	sadd.s32 $0xD000, s14;
	v2 =	vcombine.low v2, v3;
	v3 =	vunpack.c.0.s8.s32 v6;
	v6 =	vunpack.c.l.s4.s8 v7  }
0x19: {  	vm1 =	vcmask $0x3F08;
	v5 =	vand.u32 $0xF, v5;
	s26 =	sadd.s32 $0x15000, s17;
	s17 =	sadd.s32 $0x15800, s17;
	s18 =	sadd.s32 s0, s15;
	v7 =	vunpack.c.0.s8.s32 v8  }
0x1a: {  	s0 =	simm.s32 $0x1;
	s7 =	simm.s32 $0x200;
	[dreg:$0xd] =	wrdreg s24;
	v8 =	vand.u32 $0xF, v3;
	v6 =	vunpack.c.0.s8.s32 v6;
	v3 =	vcombine.low v4, v5  }
0x1b: {  	s8 =	simm.s32 $0x7800;
	s11 =	simm.s32 $0x0;
	[dreg:$0xe] =	wrdreg s25;
	v5 =	vimm.s32 $0xFFEDCBA9;
	v4 =	vcombine.low v7, v8;
	v8 =	vimm.s32 $0x87654321  }
0x1c: {  	s1 =	sadd.s32 s6, s16;
	s6 =	sadd.s32 s21, s19;
	[dreg:$0xf] =	wrdreg s26;
	v7 =	vunpack.c.0.s8.s32 v9;
	v9 =	vunpack.c.l.s4.s8 v5;
	v8 =	vunpack.c.l.s4.s8 v8  }
0x1d: {  	vm2 =	vcmask $0x3F10;
	vm3 =	vcmask $0x3F20;
	vm4 =	vcmask $0x3F3C;
	s19 =	smax.u32 s5, $0x1;
	s20 =	sadd.s32 $0x2000, s13;
	s21 =	sadd.s32 $0x4000, s13  }
0x1e: {  	s22 =	sadd.s32 $0x6000, s13;
	s23 =	sadd.s32 $0x8000, s13;
	s26 =	sadd.s32 $0xA000, s13;
	v6 =	vand.u32 $0x3, v6;
	v9 =	vunpack.c.0.s8.s32 v9;
	v8 =	vunpack.c.0.s8.s32 v8  }
0x1f: {  	s28 =	sadd.s32 $0xC000, s13;
	s29 =	sadd.s32 $0xE000, s13;
	s24 =	sshrl.u32 s1, $0x3;
	v5 =	vimm.s32 $0xFFFFFFFF;
	v6 =	vsel vm0, v7, v6;
	v7 =	vlaneseq.u32  }
0x20: {  	s25 =	sshrl.u32 s6, $0x3;
	s1 =	simm.s32 $0x1000;
	s6 =	simm.s32 $0x3200;
	vm0 =	vcmask $0x3F04;
	v8 =	vcombine.low v8, v9;
	v9 =	vimm.f32 $0.0e+00  }
.LBB2_1:
0x21: {  	s5 =	rddreg [dreg:$0x7]  }
0x22: {  	s16 =	rddreg [dreg:$0x8]  }
0x23: {  	[tilespmem:s4], [sflag:$0x1] =	stream.linear.gather [hbm4b:s5+s4], $0x800, $0x38;
	[tilespmem:$0x19E00] =	vst v63  }
0x24: {  	s14 =	simm.s32 $0x800;
	s15 =	rddreg [dreg:$0x9]  }
0x25: {  	[tilespmem:s14], [sflag:$0x2] =	stream.linear.gather [hbm4b:s16+s4], $0x800, $0x38;
	[tilespmem:$0x19E00] =	vst v63  }
0x26: {  	s16 =	rddreg [dreg:$0xa]  }
0x27: {  	[tilespmem:s31], [sflag:$0x3] =	stream.linear.gather [hbm4b:s15+s4], $0x4000, $0x38;
	[tilespmem:$0x19E00] =	vst v63  }
0x28: {  	[spmem:s24], [sflag:s10] =	dma.local [hbm:s16], $0x800  }
0x29: {  	s5 =	rddreg [dreg:$0xb]  }
0x2a: {  	[spmem:s25], [sflag:s10] =	dma.local [hbm:s5], $0x1000  }
0x2b: {  	s14 =	simm.s32 $0x0;
	s5 =	simm.s32 $0x40  }
.LBB2_2:
0x2c: {  	p0 =	sne.s32 s5, $0x3FC0;
	[tilespmem:s14+$0x1000] =	vst v5;
	s14 =	smov.u32 s5;
	s5 =	sadd.s32 $0x40, s5  }
.Ltmp0:
0x2d: {  	(pc) =	sbr.rel @p0 .LBB2_2-.Ltmp0, $2  }
0x2e: {  	_ =	sdelay $0x2  }
0x2f: {  	s14 =	sshra.s32 s14, $0x2  }
0x30: {  	[tilespmem:s14+$0x1000] =	vst v5  }
0x31: {  	_ =	swait.ge [sflag:s0], $0x800  }
0x32: {  	[sflag:s0] =	ssyncset.done $0x0  }
0x33: {  	[sflag:s0] =	ssyncadd.s32 $0xFFFFF800  }
0x34: {  	_ =	swait.ge [sflag:s2], $0x800  }
0x35: {  	[sflag:s2] =	ssyncset.done $0x0  }
0x36: {  	s5 =	simm.s32 $0x0;
	[sflag:s2] =	ssyncadd.s32 $0xFFFFF800  }
0x37: {  	v10 =	vld [tilespmem:s5+$0x800]  }
0x38: {  	v11 =	vld [tilespmem:s5+$0x0];
	_ =	sdelay $0x4  }
0x39: {  	v10 =	vshll.u32 v10, $0xE;
	vm5 =	vge.s32 v11, v0  }
0x3a: {  	vm6 =	vlt.s32 v11, v1;
	v11 =	vsub.s32 v11, v0;
	v10 =	vadd.s32 s12, v10  }
0x3b: {  	vm5 =	vmand vm5, vm6;
	v11 =	vxor.u32 $0x80000000, v11;
	v10 =	vadd.s32 v7, v10  }
0x3c: {  	v11 =	vnsel vm5, $0xFFFFFFFF, v11;
	v10 =	vnsel vm5, $0xFFFFFFFF, v10  }
0x3d: {  	(xrf1) =	vsort.ascd.msk.u32 $0xffff, v11, v10;
	_ =	sdelay $0xd  }
0x3e: {  	v10, v11, _ =	vpop (xrf1)  }
0x3f: {  	v12 =	vxor.u32 $0x80000000, v10  }
0x40: {  	v14 =	vperm.xlane v11, v2;
	v13 =	vperm.xlane v12, v2;
	_ =	sdelay $0x1  }
0x41: {  	vm6 =	vgt.s32 v11, v14;
	vm5 =	veq.s32 v13, v12  }
0x42: {  	v54 =	vsel vm6, v11, v14;
	vm5 =	vmand vm5, vm0  }
0x43: {  	v55 =	vperm.xlane v12, v8;
	v11 =	vsel vm5, v54, v11  }
0x44: {  	v56 =	vperm.xlane v12, v3;
	v15 =	vperm.xlane v11, v3  }
0x45: {  	vm6 =	vne.s32 v10, $0xFFFFFFFF  }
0x46: {  	vm7 =	veq.s32 v56, v12;
	vm5 =	vne.s32 v55, v12;
	vm8 =	vgt.s32 v11, v15  }
0x47: {  	vm7 =	vmand vm7, vm1;
	vm5 =	vmor vm5, vm4;
	v10 =	vsel vm8, v11, v15  }
0x48: {  	vm5 =	vmand vm6, vm5;
	v10 =	vsel vm7, v10, v11  }
0x49: {  	v57 =	vperm.xlane v12, v4;
	v11 =	vnsel vm5, $0x0, v12;
	v58 =	vperm.xlane v10, v4;
	_ =	sdelay $0x1  }
0x4a: {  	vm6 =	veq.s32 v57, v12;
	vm7 =	vgt.s32 v10, v58  }
0x4b: {  	vm6 =	vmand vm6, vm2;
	v59 =	vsel vm7, v10, v58  }
0x4c: {  	v10 =	vsel vm6, v59, v10  }
0x4d: {  	v61 =	vperm.xlane v12, v6;
	v60 =	vld.idx.msk [tilespmem:v11+s1+$0x0], vm5;
	v62 =	vperm.xlane v10, v6;
	_ =	sdelay $0x1  }
0x4e: {  	vm6 =	veq.s32 v61, v12;
	vm7 =	vgt.s32 v10, v62  }
0x4f: {  	vm6 =	vmand vm6, vm3;
	v63 =	vsel vm7, v10, v62  }
0x50: {  	v10 =	vsel vm6, v63, v10  }
0x51: {  	vm6 =	vgt.s32 v60, v10  }
0x52: {  	v10 =	vsel vm6, v60, v10  }
0x53: {  	s15 =	simm.s32 $0x10;
	[tilespmem:v11+s1+$0x0] =	vst.idx.msk vm5, v10  }
0x54: {  	s14 =	simm.s32 $0x80;
	s5 =	smov.u32 s12;
	v10 =	vld [tilespmem:s15+$0x800]  }
.LBB2_4:
0x55: {  	p0 =	sne.s32 s14, $0x1FC0  }
0x56: {  	v11 =	vld [tilespmem:s15+$0x0];
	_ =	sdelay $0x2  }
0x57: {  	s5 =	sadd.s32 $0x10, s5;
	v10 =	vshll.u32 v10, $0xE  }
0x58: {  	v10 =	vadd.s32 s5, v10  }
0x59: {  	vm5 =	vge.s32 v11, v0;
	vm6 =	vlt.s32 v11, v1;
	v11 =	vsub.s32 v11, v0  }
0x5a: {  	v10 =	vadd.s32 v7, v10;
	vm5 =	vmand vm5, vm6;
	v11 =	vxor.u32 $0x80000000, v11  }
0x5b: {  	v10 =	vnsel vm5, $0xFFFFFFFF, v10;
	v11 =	vnsel vm5, $0xFFFFFFFF, v11  }
0x5c: {  	(xrf1) =	vsort.ascd.msk.u32 $0xffff, v11, v10;
	_ =	sdelay $0xd  }
0x5d: {  	v10, v11, _ =	vpop (xrf1)  }
0x5e: {  	v12 =	vxor.u32 $0x80000000, v10  }
0x5f: {  	v14 =	vperm.xlane v11, v2;
	v13 =	vperm.xlane v12, v2;
	_ =	sdelay $0x1  }
0x60: {  	vm6 =	vgt.s32 v11, v14;
	vm5 =	veq.s32 v13, v12  }
0x61: {  	v13 =	vsel vm6, v11, v14;
	vm5 =	vmand vm5, vm0  }
0x62: {  	v11 =	vsel vm5, v13, v11;
	v13 =	vperm.xlane v12, v8  }
0x63: {  	v14 =	vperm.xlane v12, v3;
	v15 =	vperm.xlane v11, v3  }
0x64: {  	vm6 =	vne.s32 v10, $0xFFFFFFFF;
	vm5 =	vne.s32 v13, v12  }
0x65: {  	vm7 =	veq.s32 v14, v12;
	vm8 =	vgt.s32 v11, v15;
	vm5 =	vmor vm5, vm4  }
0x66: {  	vm7 =	vmand vm7, vm1;
	v10 =	vsel vm8, v11, v15;
	vm5 =	vmand vm6, vm5  }
0x67: {  	v10 =	vsel vm7, v10, v11;
	v11 =	vnsel vm5, $0x0, v12  }
0x68: {  	v13 =	vperm.xlane v12, v4;
	v14 =	vperm.xlane v10, v4;
	_ =	sdelay $0x1  }
0x69: {  	vm6 =	veq.s32 v13, v12;
	vm7 =	vgt.s32 v10, v14  }
0x6a: {  	vm6 =	vmand vm6, vm2;
	v13 =	vsel vm7, v10, v14  }
0x6b: {  	v10 =	vsel vm6, v13, v10;
	v13 =	vld.idx.msk [tilespmem:v11+s1+$0x0], vm5  }
0x6c: {  	v14 =	vperm.xlane v12, v6;
	v15 =	vperm.xlane v10, v6;
	_ =	sdelay $0x1  }
0x6d: {  	vm6 =	veq.s32 v14, v12;
	vm7 =	vgt.s32 v10, v15  }
0x6e: {  	vm6 =	vmand vm6, vm3;
	v12 =	vsel vm7, v10, v15  }
.Ltmp1:
0x6f: {  	v10 =	vsel vm6, v12, v10;
	(pc) =	sbr.rel @p0 .LBB2_4-.Ltmp1, $4  }
0x70: {  	vm6 =	vgt.s32 v13, v10  }
0x71: {  	v10 =	vsel vm6, v13, v10  }
0x72: {  	s15 =	sshra.s32 s14, $0x2;
	[tilespmem:v11+s1+$0x0] =	vst.idx.msk vm5, v10  }
0x73: {  	s14 =	sadd.s32 $0x40, s14;
	v10 =	vld [tilespmem:s15+$0x800]  }
0x74: {  	_ = 	snop  }
0x75: {  	v11 =	vld [tilespmem:s15+$0x0];
	_ =	sdelay $0x2  }
0x76: {  	s5 =	sadd.s32 $0x10, s5;
	v10 =	vshll.u32 v10, $0xE  }
0x77: {  	v10 =	vadd.s32 s5, v10  }
0x78: {  	vm5 =	vge.s32 v11, v0;
	vm6 =	vlt.s32 v11, v1;
	v11 =	vsub.s32 v11, v0  }
0x79: {  	v10 =	vadd.s32 v7, v10;
	vm5 =	vmand vm5, vm6;
	v11 =	vxor.u32 $0x80000000, v11  }
0x7a: {  	v10 =	vnsel vm5, $0xFFFFFFFF, v10;
	v11 =	vnsel vm5, $0xFFFFFFFF, v11  }
0x7b: {  	(xrf1) =	vsort.ascd.msk.u32 $0xffff, v11, v10;
	_ =	sdelay $0xd  }
0x7c: {  	v10, v11, _ =	vpop (xrf1)  }
0x7d: {  	v12 =	vxor.u32 $0x80000000, v10  }
0x7e: {  	v14 =	vperm.xlane v11, v2;
	v13 =	vperm.xlane v12, v2;
	_ =	sdelay $0x1  }
0x7f: {  	vm6 =	vgt.s32 v11, v14;
	vm5 =	veq.s32 v13, v12  }
0x80: {  	v54 =	vsel vm6, v11, v14;
	vm5 =	vmand vm5, vm0  }
0x81: {  	v55 =	vperm.xlane v12, v8;
	v11 =	vsel vm5, v54, v11  }
0x82: {  	v56 =	vperm.xlane v12, v3;
	v15 =	vperm.xlane v11, v3  }
0x83: {  	vm6 =	vne.s32 v10, $0xFFFFFFFF  }
0x84: {  	vm7 =	veq.s32 v56, v12;
	vm5 =	vne.s32 v55, v12;
	vm8 =	vgt.s32 v11, v15  }
0x85: {  	vm7 =	vmand vm7, vm1;
	vm5 =	vmor vm5, vm4;
	v10 =	vsel vm8, v11, v15  }
0x86: {  	vm5 =	vmand vm6, vm5;
	v10 =	vsel vm7, v10, v11  }
0x87: {  	v57 =	vperm.xlane v12, v4;
	v11 =	vnsel vm5, $0x0, v12;
	v58 =	vperm.xlane v10, v4;
	_ =	sdelay $0x1  }
0x88: {  	vm6 =	veq.s32 v57, v12;
	vm7 =	vgt.s32 v10, v58  }
0x89: {  	vm6 =	vmand vm6, vm2;
	v59 =	vsel vm7, v10, v58  }
0x8a: {  	v10 =	vsel vm6, v59, v10  }
0x8b: {  	v61 =	vperm.xlane v12, v6;
	v60 =	vld.idx.msk [tilespmem:v11+s1+$0x0], vm5;
	v62 =	vperm.xlane v10, v6;
	_ =	sdelay $0x1  }
0x8c: {  	vm6 =	veq.s32 v61, v12;
	vm7 =	vgt.s32 v10, v62  }
0x8d: {  	vm6 =	vmand vm6, vm3;
	v63 =	vsel vm7, v10, v62  }
0x8e: {  	v10 =	vsel vm6, v63, v10  }
0x8f: {  	vm6 =	vgt.s32 v60, v10  }
0x90: {  	v10 =	vsel vm6, v60, v10  }
0x91: {  	[tilespmem:v11+s1+$0x0] =	vst.idx.msk vm5, v10  }
0x92: {  	_ =	swait.ge [sflag:s3], $0x4000  }
0x93: {  	[sflag:s3] =	ssyncset.done $0x0  }
0x94: {  	[sflag:s3] =	ssyncadd.s32 $0xFFFFC000  }
0x95: {  	_ =	swait.ge [sflag:s3], $0x800  }
0x96: {  	[sflag:s3] =	ssyncset.done $0x0  }
0x97: {  	[sflag:s3] =	ssyncadd.s32 $0xFFFFF800  }
0x98: {  	_ =	swait.ge [sflag:s3], $0x1000  }
0x99: {  	[sflag:s3] =	ssyncset.done $0x0  }
0x9a: {  	s15 =	rddreg [dreg:$0xc];
	[sflag:s3] =	ssyncadd.s32 $0xFFFFF000  }
0x9b: {  	[spmem:s15] =	stream.linear.scatter [tilespmem:s1], [sflag:$0x4], $0x1000, $0x38;
	[tilespmem:$0x19E00] =	vst v63  }
0x9c: {  	_ =	swait.ge [sflag:s30], $0x1000  }
0x9d: {  	[sflag:s30] =	ssyncset.done $0x0  }
0x9e: {  	[sflag:s30] =	ssyncadd.s32 $0xFFFFF000  }
0x9f: {  	s16 =	simm.s32 $0x3000;
	[bflag:$0x0] =	sbarrier.arrive $0xFFFF  }
0xa0: {  	[tilespmem:s16], [sflag:$0x4] =	stream.linear.gather [spmem:s13], $0x200, $0x38;
	[tilespmem:$0x19E00] =	vst v63  }
0xa1: {  	_ =	swait.ge [sflag:s30], $0x200  }
0xa2: {  	[sflag:s30] =	ssyncset.done $0x0  }
0xa3: {  	[sflag:s30] =	ssyncadd.s32 $0xFFFFFE00  }
0xa4: {  	[tilespmem:s6], [sflag:$0x4] =	stream.linear.gather [spmem:s20], $0x200, $0x38;
	[tilespmem:$0x19E00] =	vst v63  }
0xa5: {  	_ =	swait.ge [sflag:s30], $0x200  }
0xa6: {  	[sflag:s30] =	ssyncset.done $0x0  }
0xa7: {  	s5 =	simm.s32 $0x0;
	[sflag:s30] =	ssyncadd.s32 $0xFFFFFE00  }
0xa8: {  	s14 =	simm.s32 $0x40;
	v10 =	vld [tilespmem:s5+$0x3200]  }
.LBB2_6:
0xa9: {  	p0 =	sne.s32 s14, $0x7C0;
	v11 =	vld [tilespmem:s5+$0x3000];
	_ =	sdelay $0x2  }
.Ltmp2:
0xaa: {  	(pc) =	sbr.rel @p0 .LBB2_6-.Ltmp2, $4  }
0xab: {  	_ = 	snop  }
0xac: {  	vm5 =	vgt.s32 v11, v10  }
0xad: {  	s15 =	sshra.s32 s14, $0x2;
	v11 =	vsel vm5, v11, v10  }
0xae: {  	s14 =	sadd.s32 $0x40, s14;
	v10 =	vld [tilespmem:s15+$0x3200];
	[tilespmem:s5+$0x3000] =	vst v11;
	s5 =	smov.u32 s15  }
0xaf: {  	v11 =	vld [tilespmem:s5+$0x3000];
	_ =	sdelay $0x4  }
0xb0: {  	vm5 =	vgt.s32 v11, v10  }
0xb1: {  	v10 =	vsel vm5, v11, v10  }
0xb2: {  	[tilespmem:s5+$0x3000] =	vst v10  }
0xb3: {  	[tilespmem:s6], [sflag:$0x4] =	stream.linear.gather [spmem:s21], $0x200, $0x38;
	[tilespmem:$0x19E00] =	vst v63  }
0xb4: {  	_ =	swait.ge [sflag:s30], $0x200  }
0xb5: {  	[sflag:s30] =	ssyncset.done $0x0  }
0xb6: {  	s5 =	simm.s32 $0x0;
	[sflag:s30] =	ssyncadd.s32 $0xFFFFFE00  }
0xb7: {  	s14 =	simm.s32 $0x40;
	v10 =	vld [tilespmem:s5+$0x3200]  }
.LBB2_8:
0xb8: {  	p0 =	sne.s32 s14, $0x7C0;
	v11 =	vld [tilespmem:s5+$0x3000];
	_ =	sdelay $0x2  }
.Ltmp3:
0xb9: {  	(pc) =	sbr.rel @p0 .LBB2_8-.Ltmp3, $4  }
0xba: {  	_ = 	snop  }
0xbb: {  	vm5 =	vgt.s32 v11, v10  }
0xbc: {  	s15 =	sshra.s32 s14, $0x2;
	v11 =	vsel vm5, v11, v10  }
0xbd: {  	s14 =	sadd.s32 $0x40, s14;
	v10 =	vld [tilespmem:s15+$0x3200];
	[tilespmem:s5+$0x3000] =	vst v11;
	s5 =	smov.u32 s15  }
0xbe: {  	v11 =	vld [tilespmem:s5+$0x3000];
	_ =	sdelay $0x4  }
0xbf: {  	vm5 =	vgt.s32 v11, v10  }
0xc0: {  	v10 =	vsel vm5, v11, v10  }
0xc1: {  	[tilespmem:s5+$0x3000] =	vst v10  }
0xc2: {  	[tilespmem:s6], [sflag:$0x4] =	stream.linear.gather [spmem:s22], $0x200, $0x38;
	[tilespmem:$0x19E00] =	vst v63  }
0xc3: {  	_ =	swait.ge [sflag:s30], $0x200  }
0xc4: {  	[sflag:s30] =	ssyncset.done $0x0  }
0xc5: {  	s5 =	simm.s32 $0x0;
	[sflag:s30] =	ssyncadd.s32 $0xFFFFFE00  }
0xc6: {  	s14 =	simm.s32 $0x40;
	v10 =	vld [tilespmem:s5+$0x3200]  }
.LBB2_10:
0xc7: {  	p0 =	sne.s32 s14, $0x7C0;
	v11 =	vld [tilespmem:s5+$0x3000];
	_ =	sdelay $0x2  }
.Ltmp4:
0xc8: {  	(pc) =	sbr.rel @p0 .LBB2_10-.Ltmp4, $4  }
0xc9: {  	_ = 	snop  }
0xca: {  	vm5 =	vgt.s32 v11, v10  }
0xcb: {  	s15 =	sshra.s32 s14, $0x2;
	v11 =	vsel vm5, v11, v10  }
0xcc: {  	s14 =	sadd.s32 $0x40, s14;
	v10 =	vld [tilespmem:s15+$0x3200];
	[tilespmem:s5+$0x3000] =	vst v11;
	s5 =	smov.u32 s15  }
0xcd: {  	v11 =	vld [tilespmem:s5+$0x3000];
	_ =	sdelay $0x4  }
0xce: {  	vm5 =	vgt.s32 v11, v10  }
0xcf: {  	v10 =	vsel vm5, v11, v10  }
0xd0: {  	[tilespmem:s5+$0x3000] =	vst v10  }
0xd1: {  	[tilespmem:s6], [sflag:$0x4] =	stream.linear.gather [spmem:s23], $0x200, $0x38;
	[tilespmem:$0x19E00] =	vst v63  }
0xd2: {  	_ =	swait.ge [sflag:s30], $0x200  }
0xd3: {  	[sflag:s30] =	ssyncset.done $0x0  }
0xd4: {  	s5 =	simm.s32 $0x0;
	[sflag:s30] =	ssyncadd.s32 $0xFFFFFE00  }
0xd5: {  	s14 =	simm.s32 $0x40;
	v10 =	vld [tilespmem:s5+$0x3200]  }
.LBB2_12:
0xd6: {  	p0 =	sne.s32 s14, $0x7C0;
	v11 =	vld [tilespmem:s5+$0x3000];
	_ =	sdelay $0x2  }
.Ltmp5:
0xd7: {  	(pc) =	sbr.rel @p0 .LBB2_12-.Ltmp5, $4  }
0xd8: {  	_ = 	snop  }
0xd9: {  	vm5 =	vgt.s32 v11, v10  }
0xda: {  	s15 =	sshra.s32 s14, $0x2;
	v11 =	vsel vm5, v11, v10  }
0xdb: {  	s14 =	sadd.s32 $0x40, s14;
	v10 =	vld [tilespmem:s15+$0x3200];
	[tilespmem:s5+$0x3000] =	vst v11;
	s5 =	smov.u32 s15  }
0xdc: {  	v11 =	vld [tilespmem:s5+$0x3000];
	_ =	sdelay $0x4  }
0xdd: {  	vm5 =	vgt.s32 v11, v10  }
0xde: {  	v10 =	vsel vm5, v11, v10  }
0xdf: {  	[tilespmem:s5+$0x3000] =	vst v10  }
0xe0: {  	[tilespmem:s6], [sflag:$0x4] =	stream.linear.gather [spmem:s26], $0x200, $0x38;
	[tilespmem:$0x19E00] =	vst v63  }
0xe1: {  	_ =	swait.ge [sflag:s30], $0x200  }
0xe2: {  	[sflag:s30] =	ssyncset.done $0x0  }
0xe3: {  	s5 =	simm.s32 $0x0;
	[sflag:s30] =	ssyncadd.s32 $0xFFFFFE00  }
0xe4: {  	s14 =	simm.s32 $0x40;
	v10 =	vld [tilespmem:s5+$0x3200]  }
.LBB2_14:
0xe5: {  	p0 =	sne.s32 s14, $0x7C0;
	v11 =	vld [tilespmem:s5+$0x3000];
	_ =	sdelay $0x2  }
.Ltmp6:
0xe6: {  	(pc) =	sbr.rel @p0 .LBB2_14-.Ltmp6, $4  }
0xe7: {  	_ = 	snop  }
0xe8: {  	vm5 =	vgt.s32 v11, v10  }
0xe9: {  	s15 =	sshra.s32 s14, $0x2;
	v11 =	vsel vm5, v11, v10  }
0xea: {  	s14 =	sadd.s32 $0x40, s14;
	v10 =	vld [tilespmem:s15+$0x3200];
	[tilespmem:s5+$0x3000] =	vst v11;
	s5 =	smov.u32 s15  }
0xeb: {  	v11 =	vld [tilespmem:s5+$0x3000];
	_ =	sdelay $0x4  }
0xec: {  	vm5 =	vgt.s32 v11, v10  }
0xed: {  	v10 =	vsel vm5, v11, v10  }
0xee: {  	[tilespmem:s5+$0x3000] =	vst v10  }
0xef: {  	[tilespmem:s6], [sflag:$0x4] =	stream.linear.gather [spmem:s28], $0x200, $0x38;
	[tilespmem:$0x19E00] =	vst v63  }
0xf0: {  	_ =	swait.ge [sflag:s30], $0x200  }
0xf1: {  	[sflag:s30] =	ssyncset.done $0x0  }
0xf2: {  	s5 =	simm.s32 $0x0;
	[sflag:s30] =	ssyncadd.s32 $0xFFFFFE00  }
0xf3: {  	s14 =	simm.s32 $0x40;
	v10 =	vld [tilespmem:s5+$0x3200]  }
.LBB2_16:
0xf4: {  	p0 =	sne.s32 s14, $0x7C0;
	v11 =	vld [tilespmem:s5+$0x3000];
	_ =	sdelay $0x2  }
.Ltmp7:
0xf5: {  	(pc) =	sbr.rel @p0 .LBB2_16-.Ltmp7, $4  }
0xf6: {  	_ = 	snop  }
0xf7: {  	vm5 =	vgt.s32 v11, v10  }
0xf8: {  	s15 =	sshra.s32 s14, $0x2;
	v11 =	vsel vm5, v11, v10  }
0xf9: {  	s14 =	sadd.s32 $0x40, s14;
	v10 =	vld [tilespmem:s15+$0x3200];
	[tilespmem:s5+$0x3000] =	vst v11;
	s5 =	smov.u32 s15  }
0xfa: {  	v11 =	vld [tilespmem:s5+$0x3000];
	_ =	sdelay $0x4  }
0xfb: {  	vm5 =	vgt.s32 v11, v10  }
0xfc: {  	v10 =	vsel vm5, v11, v10  }
0xfd: {  	[tilespmem:s5+$0x3000] =	vst v10  }
0xfe: {  	[tilespmem:s6], [sflag:$0x4] =	stream.linear.gather [spmem:s29], $0x200, $0x38;
	[tilespmem:$0x19E00] =	vst v63  }
0xff: {  	_ =	swait.ge [sflag:s30], $0x200  }
0x100: {  	[sflag:s30] =	ssyncset.done $0x0  }
0x101: {  	s5 =	simm.s32 $0x0;
	[sflag:s30] =	ssyncadd.s32 $0xFFFFFE00  }
0x102: {  	s15 =	simm.s32 $0x40;
	s14 =	simm.s32 $0x0;
	v10 =	vld [tilespmem:s5+$0x3200]  }
.LBB2_18:
0x103: {  	p0 =	sne.s32 s15, $0x7C0;
	v11 =	vld [tilespmem:s14+$0x3000];
	_ =	sdelay $0x2  }
.Ltmp8:
0x104: {  	(pc) =	sbr.rel @p0 .LBB2_18-.Ltmp8, $4  }
0x105: {  	_ = 	snop  }
0x106: {  	vm5 =	vgt.s32 v11, v10  }
0x107: {  	s16 =	sshra.s32 s15, $0x2;
	v11 =	vsel vm5, v11, v10  }
0x108: {  	s15 =	sadd.s32 $0x40, s15;
	v10 =	vld [tilespmem:s16+$0x3200];
	[tilespmem:s14+$0x3000] =	vst v11;
	s14 =	smov.u32 s16  }
0x109: {  	v11 =	vld [tilespmem:s14+$0x3000];
	_ =	sdelay $0x4  }
0x10a: {  	vm5 =	vgt.s32 v11, v10  }
0x10b: {  	v10 =	vsel vm5, v11, v10  }
0x10c: {  	[tilespmem:s14+$0x3000] =	vst v10  }
0x10d: {  	v10 =	vld [tilespmem:s5+$0x3000];
	_ =	sdelay $0x3  }
0x10e: {  	s14 =	simm.s32 $0x40  }
.LBB2_20:
0x10f: {  	s15 =	sshra.s32 s14, $0x2;
	p0 =	sne.s32 s14, $0x7C0;
	s14 =	sadd.s32 $0x40, s14;
	vm5 =	vgt.s32 v10, $0xFFFFFFFF;
	vm6 =	vgt.s32 v10, $0x0  }
.Ltmp9:
0x110: {  	v11 =	vnsel vm6, $0x0, v10;
	v10 =	vld [tilespmem:s15+$0x3000];
	v12 =	vsel vm5, $0x3F800000, v9;
	(pc) =	sbr.rel @p0 .LBB2_20-.Ltmp9, $4  }
0x111: {  	v13 =	vshrl.u32 v11, $0xE;
	v11 =	vand.u32 $0x3FFF, v11;
	[tilespmem:s5+$0x9A00] =	vst v12  }
0x112: {  	[tilespmem:s5+$0x3400] =	vst v11;
	v11 =	vcvt.s32.f32 v13  }
0x113: {  	[tilespmem:s5+$0x9C00] =	vst v13  }
0x114: {  	[tilespmem:s5+$0x9800] =	vst v11;
	s5 =	smov.u32 s15  }
0x115: {  	vm5 =	vgt.s32 v10, $0xFFFFFFFF;
	vm6 =	vgt.s32 v10, $0x0  }
0x116: {  	v10 =	vnsel vm6, $0x0, v10;
	v11 =	vsel vm5, $0x3F800000, v9  }
0x117: {  	v12 =	vshrl.u32 v10, $0xE;
	v10 =	vand.u32 $0x3FFF, v10;
	[tilespmem:s5+$0x9A00] =	vst v11  }
0x118: {  	[tilespmem:s5+$0x3400] =	vst v10;
	v10 =	vcvt.s32.f32 v12  }
0x119: {  	[tilespmem:s5+$0x9C00] =	vst v12  }
0x11a: {  	[tilespmem:s5+$0x9800] =	vst v10;
	s5 =	simm.s32 $0x0  }
0x11b: {  	v10 =	vld [tilespmem:s5+$0x3400];
	_ =	sdelay $0x7  }
0x11c: {  	s14 =	simm.s32 $0x10;
	s15 =	simm.s32 $0x80;
	v10 =	vld.idx.msk [tilespmem:v10+s31+$0x0], $0xffff  }
.LBB2_22:
0x11d: {  	p0 =	sne.s32 s15, $0x7C0;
	v11 =	vld [tilespmem:s14+$0x3400];
	_ =	sdelay $0x3  }
.Ltmp10:
0x11e: {  	(pc) =	sbr.rel @p0 .LBB2_22-.Ltmp10, $2  }
0x11f: {  	[tilespmem:s5+$0x3600] =	vst v10;
	s5 =	smov.u32 s14;
	_ =	sdelay $0x2  }
0x120: {  	s14 =	sshra.s32 s15, $0x2;
	s15 =	sadd.s32 $0x40, s15;
	v10 =	vld.idx.msk [tilespmem:v11+s31+$0x0], $0xffff  }
0x121: {  	v11 =	vld [tilespmem:s14+$0x3400];
	_ =	sdelay $0x6  }
0x122: {  	[tilespmem:s5+$0x3600] =	vst v10  }
0x123: {  	v10 =	vld.idx.msk [tilespmem:v11+s31+$0x0], $0xffff;
	_ =	sdelay $0x4  }
0x124: {  	s15 =	rddreg [dreg:$0x3];
	s16 =	simm.s32 $0x3400;
	[tilespmem:s14+$0x3600] =	vst v10  }
0x125: {  	[tilespmem:s8], [sflag:$0x2] =	stream.indirect.gather [spmem:s15], $0x10, s16, s7, $0xb8;
	[tilespmem:$0x19E00] =	vst v63  }
0x126: {  	s14 =	rddreg [dreg:$0x4];
	s15 =	simm.s32 $0x3600  }
0x127: {  	[tilespmem:s9], [sflag:$0x1] =	stream.indirect.gather [spmem:s14], $0x20, s15, s7, $0xb8;
	[tilespmem:$0x19E00] =	vst v63  }
0x128: {  	_ =	swait.ge [sflag:s0], $0x4000  }
0x129: {  	[sflag:s0] =	ssyncset.done $0x0  }
0x12a: {  	[sflag:s0] =	ssyncadd.s32 $0xFFFFC000  }
0x12b: {  	_ =	swait.ge [sflag:s2], $0x2000  }
0x12c: {  	[sflag:s2] =	ssyncset.done $0x0  }
0x12d: {  	s16 =	rddreg [dreg:$0xd];
	[sflag:s2] =	ssyncadd.s32 $0xFFFFE000  }
0x12e: {  	[hbm4b:s16+s4] =	stream.linear.scatter [tilespmem:s9], [sflag:$0x4], $0x4000, $0x38;
	[tilespmem:$0x19E00] =	vst v63  }
0x12f: {  	_ =	swait.ge [sflag:s30], $0x4000  }
0x130: {  	[sflag:s30] =	ssyncset.done $0x0  }
0x131: {  	s14 =	rddreg [dreg:$0xe];
	[sflag:s30] =	ssyncadd.s32 $0xFFFFC000  }
0x132: {  	[hbm4b:s14+s4] =	stream.linear.scatter [tilespmem:s8], [sflag:$0x4], $0x2000, $0x38;
	[tilespmem:$0x19E00] =	vst v63  }
0x133: {  	_ =	swait.ge [sflag:s30], $0x2000  }
0x134: {  	[sflag:s30] =	ssyncset.done $0x0  }
0x135: {  	s16 =	simm.s32 $0x9800;
	s15 =	rddreg [dreg:$0xf];
	[sflag:s30] =	ssyncadd.s32 $0xFFFFE000  }
0x136: {  	[hbm4b:s15+s4] =	stream.linear.scatter [tilespmem:s16], [sflag:$0x4], $0x200, $0x38;
	[tilespmem:$0x19E00] =	vst v63  }
0x137: {  	_ =	swait.ge [sflag:s30], $0x200  }
0x138: {  	[sflag:s30] =	ssyncset.done $0x0  }
0x139: {  	s15 =	simm.s32 $0x9A00;
	[sflag:s30] =	ssyncadd.s32 $0xFFFFFE00  }
0x13a: {  	[hbm4b:s17+s4] =	stream.linear.scatter [tilespmem:s15], [sflag:$0x4], $0x200, $0x38;
	[tilespmem:$0x19E00] =	vst v63  }
0x13b: {  	s11 =	sadd.s32 $0x1, s11;
	_ =	swait.ge [sflag:s30], $0x200  }
0x13c: {  	p0 =	sne.s32 s11, s19;
	[sflag:s30] =	ssyncset.done $0x0  }
.Ltmp11:
0x13d: {  	s16 =	simm.s32 $0x9C00;
	[sflag:s30] =	ssyncadd.s32 $0xFFFFFE00;
	(pc) =	sbr.rel @p0 .LBB2_1-.Ltmp11, $4  }
0x13e: {  	[hbm4b:s18+s4] =	stream.linear.scatter [tilespmem:s16], [sflag:$0x4], $0x200, $0x38;
	[tilespmem:$0x19E00] =	vst v63  }
0x13f: {  	_ =	swait.ge [sflag:s30], $0x200  }
0x140: {  	[sflag:s30] =	ssyncset.done $0x0  }
0x141: {  	[sflag:s30] =	ssyncadd.s32 $0xFFFFFE00  }
0x142: {  	_ =	sfence.sel $0x180000  }
0x143: {  	[bflag:$0x0] =	sbarrier.arrive $0xFFFF  }
0x144: {  	_ =	strace $0x90000047  }
0x145: {  	s0 =	stileid.u32;
	[bflag:$0x2] =	sbarrier.arrive $0xFFFF  }
0x146: {  	p0 =	sne.s32 s0, $0x0;
	s0 =	rddreg [dreg:$0x6]  }
0x147: {  	s0 =	sadd.s32 @!p0 $0x100000, s0  }
0x148: {  	[sflag:s0] =	ssyncadd.tile.s32 @!p0 $0x1;
	_ =	shalt  }
.Lfunc_end2:
_tile_overlayer_lowered:
.L_overlay_start_2:
0x149: {  	(tag) =	ssettag $0x2  }
0x14a: {  	s0 =	rddreg [dreg:$0x0];
	s2 =	stileid.u32  }
0x14b: {  	s1 =	rddreg [dreg:$0x1];
	p0 =	sne.s32 s2, $0x0  }
0x14c: {  	s3 =	rddreg [dreg:$0x2];
	[bflag:$0x3] =	sbarrier.arrive $0xFFFF;
	s2 =	simm.s32 @!p0 $0x1C04  }
0x14d: {  	[timem:s3], [sflag:s2] =	dma.local @!p0 [hbm:s0], s1  }
0x14e: {  	s0 =	simm.s32 @!p0 $0x4  }
0x14f: {  	_ =	swait.ge @!p0 [sflag:s0], s1  }
0x150: {  	s1 =	ssub.s32 @!p0 $0x0, s1;
	[sflag:s0] =	ssyncset.done @!p0 $0x0  }
0x151: {  	[sflag:s0] =	ssyncadd.s32 @!p0 s1  }
0x152: {  	[bflag:$0x3] =	sbarrier.arrive $0xFFFF  }
0x153: {  	_ =	shalt  }

</sc_bundles>
